<compile_context>
chip_gen: v7x
topology: tpu7x:2x2x1
jax: 0.10.2.dev20260603
libtpu: 0.0.44.dev20260713+nightly
codegen_flags: <defaults>
</compile_context>

<pallas_src>
import functools

import jax
import jax.numpy as jnp
from jax import lax
from jax.experimental import pallas as pl
from jax.experimental.pallas import tpu as pltpu
from jax.experimental.pallas import tpu_sc as plsc

_CUTOFF2 = 10000.0
_LANES = 16
_CHUNK = 128
_NC = 2
_NS = 16
_NW = _NC * _NS

_ROWS = [
    "r,-tx,-ty,-tz,txx,txy,txz,tyy,tyz,tzz",
    "tx,-txx,-txy,-txz,txxx,txxy,txxz,tyyx,txyz,tzzx",
    "ty,-txy,-tyy,-tyz,txxy,tyyx,txyz,tyyy,tyyz,tzzy",
    "tz,-txz,-tyz,-tzz,txxz,txyz,tzzx,tyyz,tzzy,tzzz",
    "txx,-txxx,-txxy,-txxz,txxxx,txxxy,txxxz,txxyy,txxyz,txxzz",
    "txy,-txxy,-tyyx,-txyz,txxxy,txxyy,txxyz,tyyyx,tyyxz,tzzxy",
    "txz,-txxz,-txyz,-tzzx,txxxz,txxyz,txxzz,tyyxz,tzzxy,tzzzx",
    "tyy,-tyyx,-tyyy,-tyyz,txxyy,tyyyx,tyyxz,tyyyy,tyyyz,tyyzz",
    "tyz,-txyz,-tyyz,-tzzy,txxyz,tyyxz,tzzxy,tyyyz,tyyzz,tzzzy",
    "tzz,-tzzx,-tzzy,-tzzz,txxzz,tzzxy,tzzzx,tyyzz,tzzzy,tzzzz",
]

_MAGIC = 12582912.0


def _build_entries():
    by_name = {}
    order = []
    for a, row in enumerate(_ROWS):
        for b, term in enumerate(row.split(",")):
            sgn = -1 if term.startswith("-") else 1
            nm = term.lstrip("-")
            if nm not in by_name:
                by_name[nm] = []
                order.append(nm)
            by_name[nm].append((a, b, sgn))
    return [(nm, by_name[nm]) for nm in order]


_ENTRIES = _build_entries()


def _bfrn(x):
    i = lax.bitcast_convert_type(x, jnp.uint32)
    odd = lax.shift_right_logical(i, jnp.uint32(16)) & jnp.uint32(1)
    i = (i + jnp.uint32(0x7FFF) + odd) & jnp.uint32(0xFFFF0000)
    return lax.bitcast_convert_type(i, jnp.float32)


def _rsqrt_newton(x):
    ib = lax.bitcast_convert_type(x, jnp.int32)
    ib = jnp.int32(0x5F3759DF) - lax.shift_right_logical(ib, 1)
    y = lax.bitcast_convert_type(ib, jnp.float32)
    for _ in range(3):
        y = y * (1.5 - 0.5 * x * y * y)
    return y


def _edge_energy(xi, yi, zi, xj, yj, zj, mi, mj, bi, bx):
    dx = _bfrn(xj - xi)
    dy = _bfrn(yj - yi)
    dz = _bfrn(zj - zi)
    s0 = dx * bi[0] + dy * bi[3] + dz * bi[6]
    s1 = dx * bi[1] + dy * bi[4] + dz * bi[7]
    s2 = dx * bi[2] + dy * bi[5] + dz * bi[8]
    s0 = _bfrn(s0 - ((s0 + _MAGIC) - _MAGIC))
    s1 = _bfrn(s1 - ((s1 + _MAGIC) - _MAGIC))
    s2 = _bfrn(s2 - ((s2 + _MAGIC) - _MAGIC))
    x = s0 * bx[0] + s1 * bx[3] + s2 * bx[6]
    y = s0 * bx[1] + s1 * bx[4] + s2 * bx[7]
    z = s0 * bx[2] + s1 * bx[5] + s2 * bx[8]
    dr2 = x * x + y * y + z * z
    drInv = _rsqrt_newton(dr2)

    dri2 = drInv * drInv
    dri3 = dri2 * drInv
    dri5 = dri3 * dri2
    dri7 = dri5 * dri2
    dri9 = dri7 * dri2
    c5 = 3.0 * dri5
    c7 = 15.0 * dri7
    c9 = 105.0 * dri9
    c5_3 = 3.0 * c5
    c7_3 = 3.0 * c7
    nd3 = 0.0 - dri3
    nc7 = 0.0 - c7
    x2, y2, z2 = x * x, y * y, z * z
    xy, xz, yz = x * y, x * z, y * z
    u_x, u_y, u_z = x2 * c7, y2 * c7, z2 * c7
    g_x, g_y, g_z = x2 * c9, y2 * c9, z2 * c9
    tv = {
        "r": lambda: drInv,
        "tx": lambda: x * nd3,
        "ty": lambda: y * nd3,
        "tz": lambda: z * nd3,
        "txx": lambda: x2 * c5 - dri3,
        "txy": lambda: xy * c5,
        "txz": lambda: xz * c5,
        "tyy": lambda: y2 * c5 - dri3,
        "tyz": lambda: yz * c5,
        "tzz": lambda: z2 * c5 - dri3,
        "txxx": lambda: x * (c5_3 - u_x),
        "txxy": lambda: y * (c5 - u_x),
        "txxz": lambda: z * (c5 - u_x),
        "tyyy": lambda: y * (c5_3 - u_y),
        "tyyx": lambda: x * (c5 - u_y),
        "tyyz": lambda: z * (c5 - u_y),
        "tzzz": lambda: z * (c5_3 - u_z),
        "tzzx": lambda: x * (c5 - u_z),
        "tzzy": lambda: y * (c5 - u_z),
        "txyz": lambda: (xy * nc7) * z,
        "txxxx": lambda: x2 * g_x - 6.0 * u_x + c5_3,
        "txxxy": lambda: xy * (g_x - c7_3),
        "txxxz": lambda: xz * (g_x - c7_3),
        "txxyy": lambda: y2 * g_x - (u_x + u_y) + c5,
        "txxzz": lambda: z2 * g_x - (u_x + u_z) + c5,
        "txxyz": lambda: yz * (g_x - c7),
        "tyyyy": lambda: y2 * g_y - 6.0 * u_y + c5_3,
        "tyyyx": lambda: xy * (g_y - c7_3),
        "tyyyz": lambda: yz * (g_y - c7_3),
        "tyyzz": lambda: z2 * g_y - (u_y + u_z) + c5,
        "tyyxz": lambda: xz * (g_y - c7),
        "tzzzz": lambda: z2 * g_z - 6.0 * u_z + c5_3,
        "tzzzx": lambda: xz * (g_z - c7_3),
        "tzzzy": lambda: yz * (g_z - c7_3),
        "tzzxy": lambda: xy * (g_z - c7),
    }
    ene = None
    for name, entries in _ENTRIES:
        c = None
        for a, b, sgn in entries:
            prod = mj[a] * mi[b]
            if c is None:
                c = -prod if sgn < 0 else prod
            elif sgn < 0:
                c = c - prod
            else:
                c = c + prod
        contrib = tv[name]() * c
        ene = contrib if ene is None else ene + contrib
    return ene, dr2


def _sc_body(n_chunks_w, n_edges, tab_hbm, src_hbm, dst_hbm, boxes_hbm,
             out_hbm, idx_s, idx_d, rows_s, rows_d, box_v, acc_v, sem):
    wid = lax.axis_index("s") * _NC + lax.axis_index("c")
    pltpu.sync_copy(boxes_hbm, box_v)
    bv0 = box_v[pl.ds(0, 16)]
    bv1 = box_v[pl.ds(16, 16)]
    bvals = [bv0[i] for i in range(16)] + [bv1[i] for i in range(16)]
    bi = bvals[0:9]
    bx = bvals[9:18]
    base_w = wid * (n_chunks_w * _CHUNK)
    lanes = lax.iota(jnp.int32, _LANES)

    def chunk_body(g, acc):
        base = base_w + g * _CHUNK
        pltpu.sync_copy(src_hbm.at[pl.ds(base, _CHUNK)], idx_s)
        pltpu.sync_copy(dst_hbm.at[pl.ds(base, _CHUNK)], idx_d)
        cp_s = pltpu.async_copy(tab_hbm.at[idx_s], rows_s, sem)
        cp_d = pltpu.async_copy(tab_hbm.at[idx_d], rows_d, sem)
        cp_s.wait()
        cp_d.wait()

        def step_body(s, acc2):
            rs = s * _LANES + lanes

            def col(ref, c):
                cv = jnp.full((_LANES,), c, jnp.int32)
                return plsc.load_gather(ref, [rs, cv])

            xi = col(rows_s, 0)
            yi = col(rows_s, 1)
            zi = col(rows_s, 2)
            xj = col(rows_d, 0)
            yj = col(rows_d, 1)
            zj = col(rows_d, 2)
            mi = [col(rows_s, 3 + b) for b in range(10)]
            mj = [col(rows_d, 3 + b) for b in range(10)]
            ene, dr2 = _edge_energy(xi, yi, zi, xj, yj, zj, mi, mj, bi, bx)
            eid = base + rs
            ok = (dr2 <= _CUTOFF2) & (eid < n_edges)
            return acc2 + jnp.where(ok, ene, 0.0)

        return lax.fori_loop(0, _CHUNK // _LANES, step_body, acc)

    acc = lax.fori_loop(0, n_chunks_w, chunk_body,
                        jnp.zeros((_LANES,), jnp.float32))
    acc_v[...] = acc
    pltpu.sync_copy(acc_v, out_hbm.at[wid])


@functools.partial(jax.jit, static_argnames=("n_chunks_w", "n_edges"))
def _sc_call(tab, src_p, dst_p, boxes, n_chunks_w, n_edges):
    mesh = plsc.VectorSubcoreMesh(core_axis_name="c", subcore_axis_name="s")
    grid_kernel = functools.partial(
        pl.kernel,
        mesh=mesh,
        compiler_params=pltpu.CompilerParams(
            needs_layout_passes=False, use_tc_tiling_on_sc=False),
        out_type=jax.ShapeDtypeStruct((_NW, _LANES), jnp.float32),
        scratch_types=[
            pltpu.VMEM((_CHUNK,), jnp.int32),
            pltpu.VMEM((_CHUNK,), jnp.int32),
            pltpu.VMEM((_CHUNK, _LANES), jnp.float32),
            pltpu.VMEM((_CHUNK, _LANES), jnp.float32),
            pltpu.VMEM((32,), jnp.float32),
            pltpu.VMEM((_LANES,), jnp.float32),
            pltpu.SemaphoreType.DMA,
        ],
    )
    body = functools.partial(_sc_body, n_chunks_w, n_edges)
    return grid_kernel(body)(tab, src_p, dst_p, boxes)


def kernel(coords, box, pairs, q, p, t):
    n = coords.shape[0]
    n_edges = pairs.shape[0]
    binv = jnp.linalg.inv(box)
    quad = jnp.stack([
        t[:, 0, 0] / 3,
        (t[:, 0, 1] + t[:, 1, 0]) / 3,
        (t[:, 0, 2] + t[:, 2, 0]) / 3,
        t[:, 1, 1] / 3,
        (t[:, 1, 2] + t[:, 2, 1]) / 3,
        t[:, 2, 2] / 3,
    ], axis=1)
    tab = jnp.concatenate([
        coords.astype(jnp.float32),
        q[:, None].astype(jnp.float32),
        p.astype(jnp.float32),
        quad.astype(jnp.float32),
        jnp.zeros((n, 3), jnp.float32),
    ], axis=1)
    per_w = -(-n_edges // (_NW * _CHUNK)) * _CHUNK
    n_chunks_w = per_w // _CHUNK
    e_pad = per_w * _NW
    pad = e_pad - n_edges
    src_p = jnp.concatenate(
        [pairs[:, 0], jnp.zeros((pad,), jnp.int32)]).astype(jnp.int32)
    dst_p = jnp.concatenate(
        [pairs[:, 1], jnp.ones((pad,), jnp.int32)]).astype(jnp.int32)
    boxes = jnp.concatenate([
        _bfrn(binv.reshape(-1).astype(jnp.float32)),
        _bfrn(box.reshape(-1).astype(jnp.float32)),
        jnp.zeros((14,), jnp.float32),
    ])
    out = _sc_call(tab, src_p, dst_p, boxes, n_chunks_w, n_edges)
    return jnp.sum(out)

# --- scband reference (transcript-rebuilt; emitter-appended) ---
"""Pipeline reference for scband-multipolar-interaction-10814727651503 (READ-ONLY COPY).

The authoritative reference and input builder live on the scoring server;
editing this copy changes nothing except your own understanding.
"""

import jax, jax.numpy as jnp
import numpy as np

N = 50000
E = 800000
CUTOFF = 100.0
PREFACTOR = 1.0


def _pack_multipoles(q, p, t):
    return jnp.concatenate([
        q[:, None],
        p,
        (t[:, 0, 0] / 3)[:, None],
        ((t[:, 0, 1] + t[:, 1, 0]) / 3)[:, None],
        ((t[:, 0, 2] + t[:, 2, 0]) / 3)[:, None],
        (t[:, 1, 1] / 3)[:, None],
        ((t[:, 1, 2] + t[:, 2, 1]) / 3)[:, None],
        (t[:, 2, 2] / 3)[:, None],
    ], axis=1)


def _interaction_tensor(drVec, drInv):
    drInv2 = drInv * drInv
    drInv3 = drInv2 * drInv
    drInv5 = drInv3 * drInv2
    drInv7 = drInv5 * drInv2
    drInv9 = drInv7 * drInv2
    x, y, z = drVec[:, 0], drVec[:, 1], drVec[:, 2]
    x2, y2, z2 = x * x, y * y, z * z
    xy, xz, yz = x * y, x * z, y * z
    tx = -x * drInv3
    ty = -y * drInv3
    tz = -z * drInv3
    txx = 3 * x2 * drInv5 - drInv3
    txy = 3 * xy * drInv5
    txz = 3 * xz * drInv5
    tyy = 3 * y2 * drInv5 - drInv3
    tyz = 3 * yz * drInv5
    tzz = 3 * z2 * drInv5 - drInv3
    txxx = -15 * x2 * x * drInv7 + 9 * x * drInv5
    txxy = -15 * x2 * y * drInv7 + 3 * y * drInv5
    txxz = -15 * x2 * z * drInv7 + 3 * z * drInv5
    tyyy = -15 * y2 * y * drInv7 + 9 * y * drInv5
    tyyx = -15 * y2 * x * drInv7 + 3 * x * drInv5
    tyyz = -15 * y2 * z * drInv7 + 3 * z * drInv5
    tzzz = -15 * z2 * z * drInv7 + 9 * z * drInv5
    tzzx = -15 * z2 * x * drInv7 + 3 * x * drInv5
    tzzy = -15 * z2 * y * drInv7 + 3 * y * drInv5
    txyz = -15 * x * y * z * drInv7
    txxxx = 105 * x2 * x2 * drInv9 - 90 * x2 * drInv7 + 9 * drInv5
    txxxy = 105 * x2 * xy * drInv9 - 45 * xy * drInv7
    txxxz = 105 * x2 * xz * drInv9 - 45 * xz * drInv7
    txxyy = 105 * x2 * y2 * drInv9 - 15 * (x2 + y2) * drInv7 + 3 * drInv5
    txxzz = 105 * x2 * z2 * drInv9 - 15 * (x2 + z2) * drInv7 + 3 * drInv5
    txxyz = 105 * x2 * yz * drInv9 - 15 * yz * drInv7
    tyyyy = 105 * y2 * y2 * drInv9 - 90 * y2 * drInv7 + 9 * drInv5
    tyyyx = 105 * y2 * xy * drInv9 - 45 * xy * drInv7
    tyyyz = 105 * y2 * yz * drInv9 - 45 * yz * drInv7
    tyyzz = 105 * y2 * z2 * drInv9 - 15 * (y2 + z2) * drInv7 + 3 * drInv5
    tyyxz = 105 * y2 * xz * drInv9 - 15 * xz * drInv7
    tzzzz = 105 * z2 * z2 * drInv9 - 90 * z2 * drInv7 + 9 * drInv5
    tzzzx = 105 * z2 * xz * drInv9 - 45 * xz * drInv7
    tzzzy = 105 * z2 * yz * drInv9 - 45 * yz * drInv7
    tzzxy = 105 * z2 * xy * drInv9 - 15 * xy * drInv7
    rows = [drInv, -tx, -ty, -tz, txx, txy, txz, tyy, tyz, tzz,
            tx, -txx, -txy, -txz, txxx, txxy, txxz, tyyx, txyz, tzzx,
            ty, -txy, -tyy, -tyz, txxy, tyyx, txyz, tyyy, tyyz, tzzy,
            tz, -txz, -tyz, -tzz, txxz, txyz, tzzx, tyyz, tzzy, tzzz,
            txx, -txxx, -txxy, -txxz, txxxx, txxxy, txxxz, txxyy, txxyz, txxzz,
            txy, -txxy, -tyyx, -txyz, txxxy, txxyy, txxyz, tyyyx, tyyxz, tzzxy,
            txz, -txxz, -txyz, -tzzx, txxxz, txxyz, txxzz, tyyxz, tzzxy, tzzzx,
            tyy, -tyyx, -tyyy, -tyyz, txxyy, tyyyx, tyyxz, tyyyy, tyyyz, tyyzz,
            tyz, -txyz, -tyyz, -tzzy, txxyz, tyyxz, tzzxy, tyyyz, tyyzz, tzzzy,
            tzz, -tzzx, -tzzy, -tzzz, txxzz, tzzxy, tzzzx, tyyzz, tzzzy, tzzzz]
    return jnp.stack(rows, axis=-1).reshape(-1, 10, 10)


def setup_inputs(seed: int = 0):
    key = jax.random.key(seed)
    ks = jax.random.split(key, 6)
    coords = jax.random.normal(ks[0], (N, 3), dtype=jnp.float32)
    box = jax.random.normal(ks[1], (3, 3), dtype=jnp.float32) + 5.0 * jnp.eye(3, dtype=jnp.float32)
    src = jax.random.randint(ks[2], (E,), 0, N, dtype=jnp.int32)
    dst = jax.random.randint(ks[3], (E,), 0, N, dtype=jnp.int32)
    dst = jnp.where(dst == src, (dst + 1) % N, dst)
    pairs = jnp.stack([src, dst], axis=1)
    q = jax.random.normal(ks[4], (N,), dtype=jnp.float32)
    p = jax.random.normal(ks[5], (N, 3), dtype=jnp.float32)
    t = jax.random.normal(jax.random.fold_in(key, 7), (N, 3, 3), dtype=jnp.float32)
    return {'coords': coords, 'box': box, 'pairs': pairs, 'q': q, 'p': p, 't': t}


def reference(coords, box, pairs, q, p, t):
    box_inv = jnp.linalg.inv(box)
    drv = coords[pairs[:, 1]] - coords[pairs[:, 0]]
    ds = drv @ box_inv
    ds = ds - jnp.round(ds)
    dr_vecs = ds @ box
    dr = jnp.linalg.norm(dr_vecs, axis=1)
    mask = (dr <= CUTOFF).astype(jnp.float32)
    drInv = 1.0 / dr
    i_tensor = _interaction_tensor(dr_vecs, drInv)
    multipoles = _pack_multipoles(q, p, t)
    m_i = multipoles[pairs[:, 0]]
    m_j = multipoles[pairs[:, 1]]
    ene_pairs = jnp.einsum('ei,eij,ej->e', m_j, i_tensor, m_i)
    return PREFACTOR * jnp.sum(ene_pairs * mask)

if __name__ == "__main__":
    import jax
    _d = setup_inputs()
    print(jax.jit(kernel)(*tuple(_d.values())))

</pallas_src>

<mosaic_0001>
#map = affine_map<(d0, d1) -> (0, 0)>
#map1 = affine_map<(d0, d1) -> (0)>
module attributes {stable_mosaic.version = 14 : i64} {
  func.func @_sc_body(%arg0: i32, %arg1: i32, %arg2: memref<50000x16xf32, #tpu.memory_space<hbm>>, %arg3: memref<802816xi32, #tpu.memory_space<hbm>>, %arg4: memref<802816xi32, #tpu.memory_space<hbm>>, %arg5: memref<32xf32, #tpu.memory_space<hbm>>, %arg6: memref<32x16xf32, #tpu.memory_space<hbm>>, %arg7: memref<128xi32, #tpu.memory_space<vmem>>, %arg8: memref<128xi32, #tpu.memory_space<vmem>>, %arg9: memref<128x16xf32, #tpu.memory_space<vmem>>, %arg10: memref<128x16xf32, #tpu.memory_space<vmem>>, %arg11: memref<32xf32, #tpu.memory_space<vmem>>, %arg12: memref<16xf32, #tpu.memory_space<vmem>>, %arg13: memref<!tpu.dma_semaphore, #tpu.memory_space<semaphore_mem>>) attributes {dimension_semantics = [#tpu.dimension_semantics<core_parallel>, #tpu.dimension_semantics<subcore_parallel>], iteration_bounds = array<i64: 2, 16>, scalar_prefetch = 0 : i64, scratch_operands = 7 : i64, tpu.core_type = #tpu.core_type<sc_vector_subcore>, window_params = [{transform_indices = #map}, {transform_indices = #map1}, {transform_indices = #map1}, {transform_indices = #map1}, {transform_indices = #map}]} {
    %mul3A = arith.constant 2 : i32
    %mul3A_0 = arith.muli %arg1, %mul3A : i32
    %add3A = arith.addi %mul3A_0, %arg0 : i32
    "tpu.region"() ({
      %run_scoped3A = tpu.sem_alloc : memref<!tpu.dma_semaphore, #tpu.memory_space<semaphore_mem>>
      tpu.enqueue_dma source(%arg5 : memref<32xf32, #tpu.memory_space<hbm>>) target(%arg11 : memref<32xf32, #tpu.memory_space<vmem>>) target_semaphore(%run_scoped3A : memref<!tpu.dma_semaphore, #tpu.memory_space<semaphore_mem>>)
      tpu.wait_dma2 semaphore(%run_scoped3A : memref<!tpu.dma_semaphore, #tpu.memory_space<semaphore_mem>>) src(%arg5 : memref<32xf32, #tpu.memory_space<hbm>>) dst(%arg11 : memref<32xf32, #tpu.memory_space<vmem>>)
      tpu.yield
    }) : () -> ()
    %get3A = arith.constant 0 : index
    %get3A_1 = tpu.vector_load %arg11[%get3A] {strides = array<i32>} : memref<32xf32, #tpu.memory_space<vmem>>, vector<16xf32>,
    %get3A_2 = arith.constant 16 : index
    %get3A_3 = tpu.vector_load %arg11[%get3A_2] {strides = array<i32>} : memref<32xf32, #tpu.memory_space<vmem>>, vector<16xf32>,
    %slice3A = vector.extract_strided_slice %get3A_1 {offsets = [0], sizes = [1], strides = [1]} : vector<16xf32> to vector<1xf32>
    %squeeze3A = vector.extract %slice3A[0] : f32 from vector<1xf32>
    %slice3A_4 = vector.extract_strided_slice %get3A_1 {offsets = [1], sizes = [1], strides = [1]} : vector<16xf32> to vector<1xf32>
    %squeeze3A_5 = vector.extract %slice3A_4[0] : f32 from vector<1xf32>
    %slice3A_6 = vector.extract_strided_slice %get3A_1 {offsets = [2], sizes = [1], strides = [1]} : vector<16xf32> to vector<1xf32>
    %squeeze3A_7 = vector.extract %slice3A_6[0] : f32 from vector<1xf32>
    %slice3A_8 = vector.extract_strided_slice %get3A_1 {offsets = [3], sizes = [1], strides = [1]} : vector<16xf32> to vector<1xf32>
    %squeeze3A_9 = vector.extract %slice3A_8[0] : f32 from vector<1xf32>
    %slice3A_10 = vector.extract_strided_slice %get3A_1 {offsets = [4], sizes = [1], strides = [1]} : vector<16xf32> to vector<1xf32>
    %squeeze3A_11 = vector.extract %slice3A_10[0] : f32 from vector<1xf32>
    %slice3A_12 = vector.extract_strided_slice %get3A_1 {offsets = [5], sizes = [1], strides = [1]} : vector<16xf32> to vector<1xf32>
    %squeeze3A_13 = vector.extract %slice3A_12[0] : f32 from vector<1xf32>
    %slice3A_14 = vector.extract_strided_slice %get3A_1 {offsets = [6], sizes = [1], strides = [1]} : vector<16xf32> to vector<1xf32>
    %squeeze3A_15 = vector.extract %slice3A_14[0] : f32 from vector<1xf32>
    %slice3A_16 = vector.extract_strided_slice %get3A_1 {offsets = [7], sizes = [1], strides = [1]} : vector<16xf32> to vector<1xf32>
    %squeeze3A_17 = vector.extract %slice3A_16[0] : f32 from vector<1xf32>
    %slice3A_18 = vector.extract_strided_slice %get3A_1 {offsets = [8], sizes = [1], strides = [1]} : vector<16xf32> to vector<1xf32>
    %squeeze3A_19 = vector.extract %slice3A_18[0] : f32 from vector<1xf32>
    %slice3A_20 = vector.extract_strided_slice %get3A_1 {offsets = [9], sizes = [1], strides = [1]} : vector<16xf32> to vector<1xf32>
    %squeeze3A_21 = vector.extract %slice3A_20[0] : f32 from vector<1xf32>
    %slice3A_22 = vector.extract_strided_slice %get3A_1 {offsets = [10], sizes = [1], strides = [1]} : vector<16xf32> to vector<1xf32>
    %squeeze3A_23 = vector.extract %slice3A_22[0] : f32 from vector<1xf32>
    %slice3A_24 = vector.extract_strided_slice %get3A_1 {offsets = [11], sizes = [1], strides = [1]} : vector<16xf32> to vector<1xf32>
    %squeeze3A_25 = vector.extract %slice3A_24[0] : f32 from vector<1xf32>
    %slice3A_26 = vector.extract_strided_slice %get3A_1 {offsets = [12], sizes = [1], strides = [1]} : vector<16xf32> to vector<1xf32>
    %squeeze3A_27 = vector.extract %slice3A_26[0] : f32 from vector<1xf32>
    %slice3A_28 = vector.extract_strided_slice %get3A_1 {offsets = [13], sizes = [1], strides = [1]} : vector<16xf32> to vector<1xf32>
    %squeeze3A_29 = vector.extract %slice3A_28[0] : f32 from vector<1xf32>
    %slice3A_30 = vector.extract_strided_slice %get3A_1 {offsets = [14], sizes = [1], strides = [1]} : vector<16xf32> to vector<1xf32>
    %squeeze3A_31 = vector.extract %slice3A_30[0] : f32 from vector<1xf32>
    %slice3A_32 = vector.extract_strided_slice %get3A_1 {offsets = [15], sizes = [1], strides = [1]} : vector<16xf32> to vector<1xf32>
    %squeeze3A_33 = vector.extract %slice3A_32[0] : f32 from vector<1xf32>
    %slice3A_34 = vector.extract_strided_slice %get3A_3 {offsets = [0], sizes = [1], strides = [1]} : vector<16xf32> to vector<1xf32>
    %squeeze3A_35 = vector.extract %slice3A_34[0] : f32 from vector<1xf32>
    %slice3A_36 = vector.extract_strided_slice %get3A_3 {offsets = [1], sizes = [1], strides = [1]} : vector<16xf32> to vector<1xf32>
    %squeeze3A_37 = vector.extract %slice3A_36[0] : f32 from vector<1xf32>
    %slice3A_38 = vector.extract_strided_slice %get3A_3 {offsets = [2], sizes = [1], strides = [1]} : vector<16xf32> to vector<1xf32>
    %squeeze3A_39 = vector.extract %slice3A_38[0] : f32 from vector<1xf32>
    %slice3A_40 = vector.extract_strided_slice %get3A_3 {offsets = [3], sizes = [1], strides = [1]} : vector<16xf32> to vector<1xf32>
    %squeeze3A_41 = vector.extract %slice3A_40[0] : f32 from vector<1xf32>
    %slice3A_42 = vector.extract_strided_slice %get3A_3 {offsets = [4], sizes = [1], strides = [1]} : vector<16xf32> to vector<1xf32>
    %squeeze3A_43 = vector.extract %slice3A_42[0] : f32 from vector<1xf32>
    %slice3A_44 = vector.extract_strided_slice %get3A_3 {offsets = [5], sizes = [1], strides = [1]} : vector<16xf32> to vector<1xf32>
    %squeeze3A_45 = vector.extract %slice3A_44[0] : f32 from vector<1xf32>
    %slice3A_46 = vector.extract_strided_slice %get3A_3 {offsets = [6], sizes = [1], strides = [1]} : vector<16xf32> to vector<1xf32>
    %squeeze3A_47 = vector.extract %slice3A_46[0] : f32 from vector<1xf32>
    %slice3A_48 = vector.extract_strided_slice %get3A_3 {offsets = [7], sizes = [1], strides = [1]} : vector<16xf32> to vector<1xf32>
    %squeeze3A_49 = vector.extract %slice3A_48[0] : f32 from vector<1xf32>
    %slice3A_50 = vector.extract_strided_slice %get3A_3 {offsets = [8], sizes = [1], strides = [1]} : vector<16xf32> to vector<1xf32>
    %squeeze3A_51 = vector.extract %slice3A_50[0] : f32 from vector<1xf32>
    %slice3A_52 = vector.extract_strided_slice %get3A_3 {offsets = [9], sizes = [1], strides = [1]} : vector<16xf32> to vector<1xf32>
    %squeeze3A_53 = vector.extract %slice3A_52[0] : f32 from vector<1xf32>
    %slice3A_54 = vector.extract_strided_slice %get3A_3 {offsets = [10], sizes = [1], strides = [1]} : vector<16xf32> to vector<1xf32>
    %squeeze3A_55 = vector.extract %slice3A_54[0] : f32 from vector<1xf32>
    %slice3A_56 = vector.extract_strided_slice %get3A_3 {offsets = [11], sizes = [1], strides = [1]} : vector<16xf32> to vector<1xf32>
    %squeeze3A_57 = vector.extract %slice3A_56[0] : f32 from vector<1xf32>
    %slice3A_58 = vector.extract_strided_slice %get3A_3 {offsets = [12], sizes = [1], strides = [1]} : vector<16xf32> to vector<1xf32>
    %squeeze3A_59 = vector.extract %slice3A_58[0] : f32 from vector<1xf32>
    %slice3A_60 = vector.extract_strided_slice %get3A_3 {offsets = [13], sizes = [1], strides = [1]} : vector<16xf32> to vector<1xf32>
    %squeeze3A_61 = vector.extract %slice3A_60[0] : f32 from vector<1xf32>
    %slice3A_62 = vector.extract_strided_slice %get3A_3 {offsets = [14], sizes = [1], strides = [1]} : vector<16xf32> to vector<1xf32>
    %squeeze3A_63 = vector.extract %slice3A_62[0] : f32 from vector<1xf32>
    %slice3A_64 = vector.extract_strided_slice %get3A_3 {offsets = [15], sizes = [1], strides = [1]} : vector<16xf32> to vector<1xf32>
    %squeeze3A_65 = vector.extract %slice3A_64[0] : f32 from vector<1xf32>
    %mul3A_66 = arith.constant 25088 : i32
    %mul3A_67 = arith.muli %add3A, %mul3A_66 : i32
    %iota3A = tpu.iota {dimensions = array<i32: 0>} : vector<16xi32>
    %broadcast_in_dim3A = arith.constant 0.000000e+00 : f32
    %broadcast_in_dim3A_68 = vector.broadcast %broadcast_in_dim3A : f32 to vector<16xf32>
    %scan3A = arith.constant 0 : i32
    %scan3A_69 = arith.constant 196 : i32
    %scan3A_70 = arith.addi %scan3A, %scan3A_69 : i32
    %scan3A_71 = arith.constant 1 : i32
    %scan3A_72 = scf.for %scan3A_75 = %scan3A to %scan3A_70 step %scan3A_71 iter_args(%scan3A_76 = %broadcast_in_dim3A_68) -> (vector<16xf32>)  : i32 {
      %mul3A_77 = arith.constant 128 : i32
      %mul3A_78 = arith.muli %scan3A_75, %mul3A_77 : i32
      %add3A_79 = arith.addi %mul3A_67, %mul3A_78 : i32
      "tpu.region"() ({
        %run_scoped3A = tpu.sem_alloc : memref<!tpu.dma_semaphore, #tpu.memory_space<semaphore_mem>>
        %dma_start3A_96 = tpu.memref_slice %arg3[%add3A_79] : memref<802816xi32, #tpu.memory_space<hbm>> -> memref<128xi32, #tpu.memory_space<hbm>>
        %dma_start3A_97 = tpu.memref_slice %arg3[%add3A_79] : memref<802816xi32, #tpu.memory_space<hbm>> -> memref<128xi32, #tpu.memory_space<hbm>>
        tpu.enqueue_dma source(%dma_start3A_97 : memref<128xi32, #tpu.memory_space<hbm>>) target(%arg7 : memref<128xi32, #tpu.memory_space<vmem>>) target_semaphore(%run_scoped3A : memref<!tpu.dma_semaphore, #tpu.memory_space<semaphore_mem>>)
        %dma_wait3A_98 = tpu.memref_slice %arg3[%add3A_79] : memref<802816xi32, #tpu.memory_space<hbm>> -> memref<128xi32, #tpu.memory_space<hbm>>
        %dma_wait3A_99 = tpu.memref_slice %arg3[%add3A_79] : memref<802816xi32, #tpu.memory_space<hbm>> -> memref<128xi32, #tpu.memory_space<hbm>>
        tpu.wait_dma2 semaphore(%run_scoped3A : memref<!tpu.dma_semaphore, #tpu.memory_space<semaphore_mem>>) src(%dma_wait3A_99 : memref<128xi32, #tpu.memory_space<hbm>>) dst(%arg7 : memref<128xi32, #tpu.memory_space<vmem>>)
        tpu.yield
      }) : () -> ()
      "tpu.region"() ({
        %run_scoped3A = tpu.sem_alloc : memref<!tpu.dma_semaphore, #tpu.memory_space<semaphore_mem>>
        %dma_start3A_96 = tpu.memref_slice %arg4[%add3A_79] : memref<802816xi32, #tpu.memory_space<hbm>> -> memref<128xi32, #tpu.memory_space<hbm>>
        %dma_start3A_97 = tpu.memref_slice %arg4[%add3A_79] : memref<802816xi32, #tpu.memory_space<hbm>> -> memref<128xi32, #tpu.memory_space<hbm>>
        tpu.enqueue_dma source(%dma_start3A_97 : memref<128xi32, #tpu.memory_space<hbm>>) target(%arg8 : memref<128xi32, #tpu.memory_space<vmem>>) target_semaphore(%run_scoped3A : memref<!tpu.dma_semaphore, #tpu.memory_space<semaphore_mem>>)
        %dma_wait3A_98 = tpu.memref_slice %arg4[%add3A_79] : memref<802816xi32, #tpu.memory_space<hbm>> -> memref<128xi32, #tpu.memory_space<hbm>>
        %dma_wait3A_99 = tpu.memref_slice %arg4[%add3A_79] : memref<802816xi32, #tpu.memory_space<hbm>> -> memref<128xi32, #tpu.memory_space<hbm>>
        tpu.wait_dma2 semaphore(%run_scoped3A : memref<!tpu.dma_semaphore, #tpu.memory_space<semaphore_mem>>) src(%dma_wait3A_99 : memref<128xi32, #tpu.memory_space<hbm>>) dst(%arg8 : memref<128xi32, #tpu.memory_space<vmem>>)
        tpu.yield
      }) : () -> ()
      %dma_start3A = arith.constant 0 : i32
      %dma_start3A_80 = arith.constant 0 : i32
      %dma_start3A_81 = tpu.memref_slice %arg2[%dma_start3A, %dma_start3A_80] : memref<50000x16xf32, #tpu.memory_space<hbm>> -> memref<50000x16xf32, #tpu.memory_space<hbm>>
      tpu.enqueue_indirect_dma source(%dma_start3A_81 : memref<50000x16xf32, #tpu.memory_space<hbm>>) target(%arg9 : memref<128x16xf32, #tpu.memory_space<vmem>>) offsets(%arg7 : memref<128xi32, #tpu.memory_space<vmem>>) semaphore(%arg13 : memref<!tpu.dma_semaphore, #tpu.memory_space<semaphore_mem>>)
      %dma_start3A_82 = arith.constant 0 : i32
      %dma_start3A_83 = arith.constant 0 : i32
      %dma_start3A_84 = tpu.memref_slice %arg2[%dma_start3A_82, %dma_start3A_83] : memref<50000x16xf32, #tpu.memory_space<hbm>> -> memref<50000x16xf32, #tpu.memory_space<hbm>>
      tpu.enqueue_indirect_dma source(%dma_start3A_84 : memref<50000x16xf32, #tpu.memory_space<hbm>>) target(%arg10 : memref<128x16xf32, #tpu.memory_space<vmem>>) offsets(%arg8 : memref<128xi32, #tpu.memory_space<vmem>>) semaphore(%arg13 : memref<!tpu.dma_semaphore, #tpu.memory_space<semaphore_mem>>)
      %dma_wait3A = arith.constant 0 : i32
      %dma_wait3A_85 = arith.constant 0 : i32
      %dma_wait3A_86 = tpu.memref_slice %arg2[%dma_wait3A, %dma_wait3A_85] : memref<50000x16xf32, #tpu.memory_space<hbm>> -> memref<50000x16xf32, #tpu.memory_space<hbm>>
      tpu.wait_indirect_dma semaphore(%arg13 : memref<!tpu.dma_semaphore, #tpu.memory_space<semaphore_mem>>) src(%dma_wait3A_86 : memref<50000x16xf32, #tpu.memory_space<hbm>>) dst(%arg9 : memref<128x16xf32, #tpu.memory_space<vmem>>)
      %dma_wait3A_87 = arith.constant 0 : i32
      %dma_wait3A_88 = arith.constant 0 : i32
      %dma_wait3A_89 = tpu.memref_slice %arg2[%dma_wait3A_87, %dma_wait3A_88] : memref<50000x16xf32, #tpu.memory_space<hbm>> -> memref<50000x16xf32, #tpu.memory_space<hbm>>
      tpu.wait_indirect_dma semaphore(%arg13 : memref<!tpu.dma_semaphore, #tpu.memory_space<semaphore_mem>>) src(%dma_wait3A_89 : memref<50000x16xf32, #tpu.memory_space<hbm>>) dst(%arg10 : memref<128x16xf32, #tpu.memory_space<vmem>>)
      %scan3A_90 = arith.constant 0 : i32
      %scan3A_91 = arith.constant 8 : i32
      %scan3A_92 = arith.addi %scan3A_90, %scan3A_91 : i32
      %scan3A_93 = arith.constant 1 : i32
      %scan3A_94 = scf.for %scan3A_96 = %scan3A_90 to %scan3A_92 step %scan3A_93 iter_args(%scan3A_97 = %scan3A_76) -> (vector<16xf32>)  : i32 {
        %mul3A_98 = arith.constant 16 : i32
        %mul3A_99 = arith.muli %scan3A_96, %mul3A_98 : i32
        %add3A_100 = vector.broadcast %mul3A_99 : i32 to vector<16xi32>
        %add3A_101 = arith.addi %add3A_100, %iota3A : vector<16xi32>
        %broadcast_in_dim3A_102 = arith.constant 0 : i32
        %broadcast_in_dim3A_103 = vector.broadcast %broadcast_in_dim3A_102 : i32 to vector<16xi32>
        %gather3A = tpu.vector_load_idx %arg9[%add3A_101, %broadcast_in_dim3A_103] : memref<128x16xf32, #tpu.memory_space<vmem>>[vector<16xi32>, vector<16xi32>], vector<16xf32>,
        %broadcast_in_dim3A_104 = arith.constant 1 : i32
        %broadcast_in_dim3A_105 = vector.broadcast %broadcast_in_dim3A_104 : i32 to vector<16xi32>
        %gather3A_106 = tpu.vector_load_idx %arg9[%add3A_101, %broadcast_in_dim3A_105] : memref<128x16xf32, #tpu.memory_space<vmem>>[vector<16xi32>, vector<16xi32>], vector<16xf32>,
        %broadcast_in_dim3A_107 = arith.constant 2 : i32
        %broadcast_in_dim3A_108 = vector.broadcast %broadcast_in_dim3A_107 : i32 to vector<16xi32>
        %gather3A_109 = tpu.vector_load_idx %arg9[%add3A_101, %broadcast_in_dim3A_108] : memref<128x16xf32, #tpu.memory_space<vmem>>[vector<16xi32>, vector<16xi32>], vector<16xf32>,
        %broadcast_in_dim3A_110 = arith.constant 0 : i32
        %broadcast_in_dim3A_111 = vector.broadcast %broadcast_in_dim3A_110 : i32 to vector<16xi32>
        %gather3A_112 = tpu.vector_load_idx %arg10[%add3A_101, %broadcast_in_dim3A_111] : memref<128x16xf32, #tpu.memory_space<vmem>>[vector<16xi32>, vector<16xi32>], vector<16xf32>,
        %broadcast_in_dim3A_113 = arith.constant 1 : i32
        %broadcast_in_dim3A_114 = vector.broadcast %broadcast_in_dim3A_113 : i32 to vector<16xi32>
        %gather3A_115 = tpu.vector_load_idx %arg10[%add3A_101, %broadcast_in_dim3A_114] : memref<128x16xf32, #tpu.memory_space<vmem>>[vector<16xi32>, vector<16xi32>], vector<16xf32>,
        %broadcast_in_dim3A_116 = arith.constant 2 : i32
        %broadcast_in_dim3A_117 = vector.broadcast %broadcast_in_dim3A_116 : i32 to vector<16xi32>
        %gather3A_118 = tpu.vector_load_idx %arg10[%add3A_101, %broadcast_in_dim3A_117] : memref<128x16xf32, #tpu.memory_space<vmem>>[vector<16xi32>, vector<16xi32>], vector<16xf32>,
        %broadcast_in_dim3A_119 = arith.constant 3 : i32
        %broadcast_in_dim3A_120 = vector.broadcast %broadcast_in_dim3A_119 : i32 to vector<16xi32>
        %gather3A_121 = tpu.vector_load_idx %arg9[%add3A_101, %broadcast_in_dim3A_120] : memref<128x16xf32, #tpu.memory_space<vmem>>[vector<16xi32>, vector<16xi32>], vector<16xf32>,
        %broadcast_in_dim3A_122 = arith.constant 4 : i32
        %broadcast_in_dim3A_123 = vector.broadcast %broadcast_in_dim3A_122 : i32 to vector<16xi32>
        %gather3A_124 = tpu.vector_load_idx %arg9[%add3A_101, %broadcast_in_dim3A_123] : memref<128x16xf32, #tpu.memory_space<vmem>>[vector<16xi32>, vector<16xi32>], vector<16xf32>,
        %broadcast_in_dim3A_125 = arith.constant 5 : i32
        %broadcast_in_dim3A_126 = vector.broadcast %broadcast_in_dim3A_125 : i32 to vector<16xi32>
        %gather3A_127 = tpu.vector_load_idx %arg9[%add3A_101, %broadcast_in_dim3A_126] : memref<128x16xf32, #tpu.memory_space<vmem>>[vector<16xi32>, vector<16xi32>], vector<16xf32>,
        %broadcast_in_dim3A_128 = arith.constant 6 : i32
        %broadcast_in_dim3A_129 = vector.broadcast %broadcast_in_dim3A_128 : i32 to vector<16xi32>
        %gather3A_130 = tpu.vector_load_idx %arg9[%add3A_101, %broadcast_in_dim3A_129] : memref<128x16xf32, #tpu.memory_space<vmem>>[vector<16xi32>, vector<16xi32>], vector<16xf32>,
        %broadcast_in_dim3A_131 = arith.constant 7 : i32
        %broadcast_in_dim3A_132 = vector.broadcast %broadcast_in_dim3A_131 : i32 to vector<16xi32>
        %gather3A_133 = tpu.vector_load_idx %arg9[%add3A_101, %broadcast_in_dim3A_132] : memref<128x16xf32, #tpu.memory_space<vmem>>[vector<16xi32>, vector<16xi32>], vector<16xf32>,
        %broadcast_in_dim3A_134 = arith.constant 8 : i32
        %broadcast_in_dim3A_135 = vector.broadcast %broadcast_in_dim3A_134 : i32 to vector<16xi32>
        %gather3A_136 = tpu.vector_load_idx %arg9[%add3A_101, %broadcast_in_dim3A_135] : memref<128x16xf32, #tpu.memory_space<vmem>>[vector<16xi32>, vector<16xi32>], vector<16xf32>,
        %broadcast_in_dim3A_137 = arith.constant 9 : i32
        %broadcast_in_dim3A_138 = vector.broadcast %broadcast_in_dim3A_137 : i32 to vector<16xi32>
        %gather3A_139 = tpu.vector_load_idx %arg9[%add3A_101, %broadcast_in_dim3A_138] : memref<128x16xf32, #tpu.memory_space<vmem>>[vector<16xi32>, vector<16xi32>], vector<16xf32>,
        %broadcast_in_dim3A_140 = arith.constant 10 : i32
        %broadcast_in_dim3A_141 = vector.broadcast %broadcast_in_dim3A_140 : i32 to vector<16xi32>
        %gather3A_142 = tpu.vector_load_idx %arg9[%add3A_101, %broadcast_in_dim3A_141] : memref<128x16xf32, #tpu.memory_space<vmem>>[vector<16xi32>, vector<16xi32>], vector<16xf32>,
        %broadcast_in_dim3A_143 = arith.constant 11 : i32
        %broadcast_in_dim3A_144 = vector.broadcast %broadcast_in_dim3A_143 : i32 to vector<16xi32>
        %gather3A_145 = tpu.vector_load_idx %arg9[%add3A_101, %broadcast_in_dim3A_144] : memref<128x16xf32, #tpu.memory_space<vmem>>[vector<16xi32>, vector<16xi32>], vector<16xf32>,
        %broadcast_in_dim3A_146 = arith.constant 12 : i32
        %broadcast_in_dim3A_147 = vector.broadcast %broadcast_in_dim3A_146 : i32 to vector<16xi32>
        %gather3A_148 = tpu.vector_load_idx %arg9[%add3A_101, %broadcast_in_dim3A_147] : memref<128x16xf32, #tpu.memory_space<vmem>>[vector<16xi32>, vector<16xi32>], vector<16xf32>,
        %broadcast_in_dim3A_149 = arith.constant 3 : i32
        %broadcast_in_dim3A_150 = vector.broadcast %broadcast_in_dim3A_149 : i32 to vector<16xi32>
        %gather3A_151 = tpu.vector_load_idx %arg10[%add3A_101, %broadcast_in_dim3A_150] : memref<128x16xf32, #tpu.memory_space<vmem>>[vector<16xi32>, vector<16xi32>], vector<16xf32>,
        %broadcast_in_dim3A_152 = arith.constant 4 : i32
        %broadcast_in_dim3A_153 = vector.broadcast %broadcast_in_dim3A_152 : i32 to vector<16xi32>
        %gather3A_154 = tpu.vector_load_idx %arg10[%add3A_101, %broadcast_in_dim3A_153] : memref<128x16xf32, #tpu.memory_space<vmem>>[vector<16xi32>, vector<16xi32>], vector<16xf32>,
        %broadcast_in_dim3A_155 = arith.constant 5 : i32
        %broadcast_in_dim3A_156 = vector.broadcast %broadcast_in_dim3A_155 : i32 to vector<16xi32>
        %gather3A_157 = tpu.vector_load_idx %arg10[%add3A_101, %broadcast_in_dim3A_156] : memref<128x16xf32, #tpu.memory_space<vmem>>[vector<16xi32>, vector<16xi32>], vector<16xf32>,
        %broadcast_in_dim3A_158 = arith.constant 6 : i32
        %broadcast_in_dim3A_159 = vector.broadcast %broadcast_in_dim3A_158 : i32 to vector<16xi32>
        %gather3A_160 = tpu.vector_load_idx %arg10[%add3A_101, %broadcast_in_dim3A_159] : memref<128x16xf32, #tpu.memory_space<vmem>>[vector<16xi32>, vector<16xi32>], vector<16xf32>,
        %broadcast_in_dim3A_161 = arith.constant 7 : i32
        %broadcast_in_dim3A_162 = vector.broadcast %broadcast_in_dim3A_161 : i32 to vector<16xi32>
        %gather3A_163 = tpu.vector_load_idx %arg10[%add3A_101, %broadcast_in_dim3A_162] : memref<128x16xf32, #tpu.memory_space<vmem>>[vector<16xi32>, vector<16xi32>], vector<16xf32>,
        %broadcast_in_dim3A_164 = arith.constant 8 : i32
        %broadcast_in_dim3A_165 = vector.broadcast %broadcast_in_dim3A_164 : i32 to vector<16xi32>
        %gather3A_166 = tpu.vector_load_idx %arg10[%add3A_101, %broadcast_in_dim3A_165] : memref<128x16xf32, #tpu.memory_space<vmem>>[vector<16xi32>, vector<16xi32>], vector<16xf32>,
        %broadcast_in_dim3A_167 = arith.constant 9 : i32
        %broadcast_in_dim3A_168 = vector.broadcast %broadcast_in_dim3A_167 : i32 to vector<16xi32>
        %gather3A_169 = tpu.vector_load_idx %arg10[%add3A_101, %broadcast_in_dim3A_168] : memref<128x16xf32, #tpu.memory_space<vmem>>[vector<16xi32>, vector<16xi32>], vector<16xf32>,
        %broadcast_in_dim3A_170 = arith.constant 10 : i32
        %broadcast_in_dim3A_171 = vector.broadcast %broadcast_in_dim3A_170 : i32 to vector<16xi32>
        %gather3A_172 = tpu.vector_load_idx %arg10[%add3A_101, %broadcast_in_dim3A_171] : memref<128x16xf32, #tpu.memory_space<vmem>>[vector<16xi32>, vector<16xi32>], vector<16xf32>,
        %broadcast_in_dim3A_173 = arith.constant 11 : i32
        %broadcast_in_dim3A_174 = vector.broadcast %broadcast_in_dim3A_173 : i32 to vector<16xi32>
        %gather3A_175 = tpu.vector_load_idx %arg10[%add3A_101, %broadcast_in_dim3A_174] : memref<128x16xf32, #tpu.memory_space<vmem>>[vector<16xi32>, vector<16xi32>], vector<16xf32>,
        %broadcast_in_dim3A_176 = arith.constant 12 : i32
        %broadcast_in_dim3A_177 = vector.broadcast %broadcast_in_dim3A_176 : i32 to vector<16xi32>
        %gather3A_178 = tpu.vector_load_idx %arg10[%add3A_101, %broadcast_in_dim3A_177] : memref<128x16xf32, #tpu.memory_space<vmem>>[vector<16xi32>, vector<16xi32>], vector<16xf32>,
        %sub3A = arith.subf %gather3A_112, %gather3A : vector<16xf32>
        %bitcast_convert_type3A = tpu.bitcast %sub3A : vector<16xf32> -> vector<16xi32>
        %shift_right_logical3A = arith.constant 16 : i32
        %shift_right_logical3A_179 = vector.broadcast %shift_right_logical3A : i32 to vector<16xi32>
        %shift_right_logical3A_180 = arith.shrui %bitcast_convert_type3A, %shift_right_logical3A_179 : vector<16xi32>
        %and3A = arith.constant 1 : i32
        %and3A_181 = vector.broadcast %and3A : i32 to vector<16xi32>
        %and3A_182 = arith.andi %shift_right_logical3A_180, %and3A_181 : vector<16xi32>
        %add3A_183 = arith.constant 32767 : i32
        %add3A_184 = vector.broadcast %add3A_183 : i32 to vector<16xi32>
        %add3A_185 = arith.addi %bitcast_convert_type3A, %add3A_184 : vector<16xi32>
        %add3A_186 = arith.addi %add3A_185, %and3A_182 : vector<16xi32>
        %and3A_187 = arith.constant -65536 : i32
        %and3A_188 = vector.broadcast %and3A_187 : i32 to vector<16xi32>
        %and3A_189 = arith.andi %add3A_186, %and3A_188 : vector<16xi32>
        %bitcast_convert_type3A_190 = tpu.bitcast %and3A_189 : vector<16xi32> -> vector<16xf32>
        %sub3A_191 = arith.subf %gather3A_115, %gather3A_106 : vector<16xf32>
        %bitcast_convert_type3A_192 = tpu.bitcast %sub3A_191 : vector<16xf32> -> vector<16xi32>
        %shift_right_logical3A_193 = arith.constant 16 : i32
        %shift_right_logical3A_194 = vector.broadcast %shift_right_logical3A_193 : i32 to vector<16xi32>
        %shift_right_logical3A_195 = arith.shrui %bitcast_convert_type3A_192, %shift_right_logical3A_194 : vector<16xi32>
        %and3A_196 = arith.constant 1 : i32
        %and3A_197 = vector.broadcast %and3A_196 : i32 to vector<16xi32>
        %and3A_198 = arith.andi %shift_right_logical3A_195, %and3A_197 : vector<16xi32>
        %add3A_199 = arith.constant 32767 : i32
        %add3A_200 = vector.broadcast %add3A_199 : i32 to vector<16xi32>
        %add3A_201 = arith.addi %bitcast_convert_type3A_192, %add3A_200 : vector<16xi32>
        %add3A_202 = arith.addi %add3A_201, %and3A_198 : vector<16xi32>
        %and3A_203 = arith.constant -65536 : i32
        %and3A_204 = vector.broadcast %and3A_203 : i32 to vector<16xi32>
        %and3A_205 = arith.andi %add3A_202, %and3A_204 : vector<16xi32>
        %bitcast_convert_type3A_206 = tpu.bitcast %and3A_205 : vector<16xi32> -> vector<16xf32>
        %sub3A_207 = arith.subf %gather3A_118, %gather3A_109 : vector<16xf32>
        %bitcast_convert_type3A_208 = tpu.bitcast %sub3A_207 : vector<16xf32> -> vector<16xi32>
        %shift_right_logical3A_209 = arith.constant 16 : i32
        %shift_right_logical3A_210 = vector.broadcast %shift_right_logical3A_209 : i32 to vector<16xi32>
        %shift_right_logical3A_211 = arith.shrui %bitcast_convert_type3A_208, %shift_right_logical3A_210 : vector<16xi32>
        %and3A_212 = arith.constant 1 : i32
        %and3A_213 = vector.broadcast %and3A_212 : i32 to vector<16xi32>
        %and3A_214 = arith.andi %shift_right_logical3A_211, %and3A_213 : vector<16xi32>
        %add3A_215 = arith.constant 32767 : i32
        %add3A_216 = vector.broadcast %add3A_215 : i32 to vector<16xi32>
        %add3A_217 = arith.addi %bitcast_convert_type3A_208, %add3A_216 : vector<16xi32>
        %add3A_218 = arith.addi %add3A_217, %and3A_214 : vector<16xi32>
        %and3A_219 = arith.constant -65536 : i32
        %and3A_220 = vector.broadcast %and3A_219 : i32 to vector<16xi32>
        %and3A_221 = arith.andi %add3A_218, %and3A_220 : vector<16xi32>
        %bitcast_convert_type3A_222 = tpu.bitcast %and3A_221 : vector<16xi32> -> vector<16xf32>
        %mul3A_223 = vector.broadcast %squeeze3A : f32 to vector<16xf32>
        %mul3A_224 = arith.mulf %bitcast_convert_type3A_190, %mul3A_223 : vector<16xf32>
        %mul3A_225 = vector.broadcast %squeeze3A_9 : f32 to vector<16xf32>
        %mul3A_226 = arith.mulf %bitcast_convert_type3A_206, %mul3A_225 : vector<16xf32>
        %add3A_227 = arith.addf %mul3A_224, %mul3A_226 : vector<16xf32>
        %mul3A_228 = vector.broadcast %squeeze3A_15 : f32 to vector<16xf32>
        %mul3A_229 = arith.mulf %bitcast_convert_type3A_222, %mul3A_228 : vector<16xf32>
        %add3A_230 = arith.addf %add3A_227, %mul3A_229 : vector<16xf32>
        %mul3A_231 = vector.broadcast %squeeze3A_5 : f32 to vector<16xf32>
        %mul3A_232 = arith.mulf %bitcast_convert_type3A_190, %mul3A_231 : vector<16xf32>
        %mul3A_233 = vector.broadcast %squeeze3A_11 : f32 to vector<16xf32>
        %mul3A_234 = arith.mulf %bitcast_convert_type3A_206, %mul3A_233 : vector<16xf32>
        %add3A_235 = arith.addf %mul3A_232, %mul3A_234 : vector<16xf32>
        %mul3A_236 = vector.broadcast %squeeze3A_17 : f32 to vector<16xf32>
        %mul3A_237 = arith.mulf %bitcast_convert_type3A_222, %mul3A_236 : vector<16xf32>
        %add3A_238 = arith.addf %add3A_235, %mul3A_237 : vector<16xf32>
        %mul3A_239 = vector.broadcast %squeeze3A_7 : f32 to vector<16xf32>
        %mul3A_240 = arith.mulf %bitcast_convert_type3A_190, %mul3A_239 : vector<16xf32>
        %mul3A_241 = vector.broadcast %squeeze3A_13 : f32 to vector<16xf32>
        %mul3A_242 = arith.mulf %bitcast_convert_type3A_206, %mul3A_241 : vector<16xf32>
        %add3A_243 = arith.addf %mul3A_240, %mul3A_242 : vector<16xf32>
        %mul3A_244 = vector.broadcast %squeeze3A_19 : f32 to vector<16xf32>
        %mul3A_245 = arith.mulf %bitcast_convert_type3A_222, %mul3A_244 : vector<16xf32>
        %add3A_246 = arith.addf %add3A_243, %mul3A_245 : vector<16xf32>
        %add3A_247 = arith.constant 0x4B400000 : f32
        %add3A_248 = vector.broadcast %add3A_247 : f32 to vector<16xf32>
        %add3A_249 = arith.addf %add3A_230, %add3A_248 : vector<16xf32>
        %sub3A_250 = arith.constant 0x4B400000 : f32
        %sub3A_251 = vector.broadcast %sub3A_250 : f32 to vector<16xf32>
        %sub3A_252 = arith.subf %add3A_249, %sub3A_251 : vector<16xf32>
        %sub3A_253 = arith.subf %add3A_230, %sub3A_252 : vector<16xf32>
        %bitcast_convert_type3A_254 = tpu.bitcast %sub3A_253 : vector<16xf32> -> vector<16xi32>
        %shift_right_logical3A_255 = arith.constant 16 : i32
        %shift_right_logical3A_256 = vector.broadcast %shift_right_logical3A_255 : i32 to vector<16xi32>
        %shift_right_logical3A_257 = arith.shrui %bitcast_convert_type3A_254, %shift_right_logical3A_256 : vector<16xi32>
        %and3A_258 = arith.constant 1 : i32
        %and3A_259 = vector.broadcast %and3A_258 : i32 to vector<16xi32>
        %and3A_260 = arith.andi %shift_right_logical3A_257, %and3A_259 : vector<16xi32>
        %add3A_261 = arith.constant 32767 : i32
        %add3A_262 = vector.broadcast %add3A_261 : i32 to vector<16xi32>
        %add3A_263 = arith.addi %bitcast_convert_type3A_254, %add3A_262 : vector<16xi32>
        %add3A_264 = arith.addi %add3A_263, %and3A_260 : vector<16xi32>
        %and3A_265 = arith.constant -65536 : i32
        %and3A_266 = vector.broadcast %and3A_265 : i32 to vector<16xi32>
        %and3A_267 = arith.andi %add3A_264, %and3A_266 : vector<16xi32>
        %bitcast_convert_type3A_268 = tpu.bitcast %and3A_267 : vector<16xi32> -> vector<16xf32>
        %add3A_269 = arith.constant 0x4B400000 : f32
        %add3A_270 = vector.broadcast %add3A_269 : f32 to vector<16xf32>
        %add3A_271 = arith.addf %add3A_238, %add3A_270 : vector<16xf32>
        %sub3A_272 = arith.constant 0x4B400000 : f32
        %sub3A_273 = vector.broadcast %sub3A_272 : f32 to vector<16xf32>
        %sub3A_274 = arith.subf %add3A_271, %sub3A_273 : vector<16xf32>
        %sub3A_275 = arith.subf %add3A_238, %sub3A_274 : vector<16xf32>
        %bitcast_convert_type3A_276 = tpu.bitcast %sub3A_275 : vector<16xf32> -> vector<16xi32>
        %shift_right_logical3A_277 = arith.constant 16 : i32
        %shift_right_logical3A_278 = vector.broadcast %shift_right_logical3A_277 : i32 to vector<16xi32>
        %shift_right_logical3A_279 = arith.shrui %bitcast_convert_type3A_276, %shift_right_logical3A_278 : vector<16xi32>
        %and3A_280 = arith.constant 1 : i32
        %and3A_281 = vector.broadcast %and3A_280 : i32 to vector<16xi32>
        %and3A_282 = arith.andi %shift_right_logical3A_279, %and3A_281 : vector<16xi32>
        %add3A_283 = arith.constant 32767 : i32
        %add3A_284 = vector.broadcast %add3A_283 : i32 to vector<16xi32>
        %add3A_285 = arith.addi %bitcast_convert_type3A_276, %add3A_284 : vector<16xi32>
        %add3A_286 = arith.addi %add3A_285, %and3A_282 : vector<16xi32>
        %and3A_287 = arith.constant -65536 : i32
        %and3A_288 = vector.broadcast %and3A_287 : i32 to vector<16xi32>
        %and3A_289 = arith.andi %add3A_286, %and3A_288 : vector<16xi32>
        %bitcast_convert_type3A_290 = tpu.bitcast %and3A_289 : vector<16xi32> -> vector<16xf32>
        %add3A_291 = arith.constant 0x4B400000 : f32
        %add3A_292 = vector.broadcast %add3A_291 : f32 to vector<16xf32>
        %add3A_293 = arith.addf %add3A_246, %add3A_292 : vector<16xf32>
        %sub3A_294 = arith.constant 0x4B400000 : f32
        %sub3A_295 = vector.broadcast %sub3A_294 : f32 to vector<16xf32>
        %sub3A_296 = arith.subf %add3A_293, %sub3A_295 : vector<16xf32>
        %sub3A_297 = arith.subf %add3A_246, %sub3A_296 : vector<16xf32>
        %bitcast_convert_type3A_298 = tpu.bitcast %sub3A_297 : vector<16xf32> -> vector<16xi32>
        %shift_right_logical3A_299 = arith.constant 16 : i32
        %shift_right_logical3A_300 = vector.broadcast %shift_right_logical3A_299 : i32 to vector<16xi32>
        %shift_right_logical3A_301 = arith.shrui %bitcast_convert_type3A_298, %shift_right_logical3A_300 : vector<16xi32>
        %and3A_302 = arith.constant 1 : i32
        %and3A_303 = vector.broadcast %and3A_302 : i32 to vector<16xi32>
        %and3A_304 = arith.andi %shift_right_logical3A_301, %and3A_303 : vector<16xi32>
        %add3A_305 = arith.constant 32767 : i32
        %add3A_306 = vector.broadcast %add3A_305 : i32 to vector<16xi32>
        %add3A_307 = arith.addi %bitcast_convert_type3A_298, %add3A_306 : vector<16xi32>
        %add3A_308 = arith.addi %add3A_307, %and3A_304 : vector<16xi32>
        %and3A_309 = arith.constant -65536 : i32
        %and3A_310 = vector.broadcast %and3A_309 : i32 to vector<16xi32>
        %and3A_311 = arith.andi %add3A_308, %and3A_310 : vector<16xi32>
        %bitcast_convert_type3A_312 = tpu.bitcast %and3A_311 : vector<16xi32> -> vector<16xf32>
        %mul3A_313 = vector.broadcast %squeeze3A_21 : f32 to vector<16xf32>
        %mul3A_314 = arith.mulf %bitcast_convert_type3A_268, %mul3A_313 : vector<16xf32>
        %mul3A_315 = vector.broadcast %squeeze3A_27 : f32 to vector<16xf32>
        %mul3A_316 = arith.mulf %bitcast_convert_type3A_290, %mul3A_315 : vector<16xf32>
        %add3A_317 = arith.addf %mul3A_314, %mul3A_316 : vector<16xf32>
        %mul3A_318 = vector.broadcast %squeeze3A_33 : f32 to vector<16xf32>
        %mul3A_319 = arith.mulf %bitcast_convert_type3A_312, %mul3A_318 : vector<16xf32>
        %add3A_320 = arith.addf %add3A_317, %mul3A_319 : vector<16xf32>
        %mul3A_321 = vector.broadcast %squeeze3A_23 : f32 to vector<16xf32>
        %mul3A_322 = arith.mulf %bitcast_convert_type3A_268, %mul3A_321 : vector<16xf32>
        %mul3A_323 = vector.broadcast %squeeze3A_29 : f32 to vector<16xf32>
        %mul3A_324 = arith.mulf %bitcast_convert_type3A_290, %mul3A_323 : vector<16xf32>
        %add3A_325 = arith.addf %mul3A_322, %mul3A_324 : vector<16xf32>
        %mul3A_326 = vector.broadcast %squeeze3A_35 : f32 to vector<16xf32>
        %mul3A_327 = arith.mulf %bitcast_convert_type3A_312, %mul3A_326 : vector<16xf32>
        %add3A_328 = arith.addf %add3A_325, %mul3A_327 : vector<16xf32>
        %mul3A_329 = vector.broadcast %squeeze3A_25 : f32 to vector<16xf32>
        %mul3A_330 = arith.mulf %bitcast_convert_type3A_268, %mul3A_329 : vector<16xf32>
        %mul3A_331 = vector.broadcast %squeeze3A_31 : f32 to vector<16xf32>
        %mul3A_332 = arith.mulf %bitcast_convert_type3A_290, %mul3A_331 : vector<16xf32>
        %add3A_333 = arith.addf %mul3A_330, %mul3A_332 : vector<16xf32>
        %mul3A_334 = vector.broadcast %squeeze3A_37 : f32 to vector<16xf32>
        %mul3A_335 = arith.mulf %bitcast_convert_type3A_312, %mul3A_334 : vector<16xf32>
        %add3A_336 = arith.addf %add3A_333, %mul3A_335 : vector<16xf32>
        %mul3A_337 = arith.mulf %add3A_320, %add3A_320 : vector<16xf32>
        %mul3A_338 = arith.mulf %add3A_328, %add3A_328 : vector<16xf32>
        %add3A_339 = arith.addf %mul3A_337, %mul3A_338 : vector<16xf32>
        %mul3A_340 = arith.mulf %add3A_336, %add3A_336 : vector<16xf32>
        %add3A_341 = arith.addf %add3A_339, %mul3A_340 : vector<16xf32>
        %bitcast_convert_type3A_342 = tpu.bitcast %add3A_341 : vector<16xf32> -> vector<16xi32>
        %shift_right_logical3A_343 = arith.constant 1 : i32
        %shift_right_logical3A_344 = vector.broadcast %shift_right_logical3A_343 : i32 to vector<16xi32>
        %shift_right_logical3A_345 = arith.shrui %bitcast_convert_type3A_342, %shift_right_logical3A_344 : vector<16xi32>
        %sub3A_346 = arith.constant 1597463007 : i32
        %sub3A_347 = vector.broadcast %sub3A_346 : i32 to vector<16xi32>
        %sub3A_348 = arith.subi %sub3A_347, %shift_right_logical3A_345 : vector<16xi32>
        %bitcast_convert_type3A_349 = tpu.bitcast %sub3A_348 : vector<16xi32> -> vector<16xf32>
        %mul3A_350 = arith.constant 5.000000e-01 : f32
        %mul3A_351 = vector.broadcast %mul3A_350 : f32 to vector<16xf32>
        %mul3A_352 = arith.mulf %mul3A_351, %add3A_341 : vector<16xf32>
        %mul3A_353 = arith.mulf %mul3A_352, %bitcast_convert_type3A_349 : vector<16xf32>
        %mul3A_354 = arith.mulf %mul3A_353, %bitcast_convert_type3A_349 : vector<16xf32>
        %sub3A_355 = arith.constant 1.500000e+00 : f32
        %sub3A_356 = vector.broadcast %sub3A_355 : f32 to vector<16xf32>
        %sub3A_357 = arith.subf %sub3A_356, %mul3A_354 : vector<16xf32>
        %mul3A_358 = arith.mulf %bitcast_convert_type3A_349, %sub3A_357 : vector<16xf32>
        %mul3A_359 = arith.constant 5.000000e-01 : f32
        %mul3A_360 = vector.broadcast %mul3A_359 : f32 to vector<16xf32>
        %mul3A_361 = arith.mulf %mul3A_360, %add3A_341 : vector<16xf32>
        %mul3A_362 = arith.mulf %mul3A_361, %mul3A_358 : vector<16xf32>
        %mul3A_363 = arith.mulf %mul3A_362, %mul3A_358 : vector<16xf32>
        %sub3A_364 = arith.constant 1.500000e+00 : f32
        %sub3A_365 = vector.broadcast %sub3A_364 : f32 to vector<16xf32>
        %sub3A_366 = arith.subf %sub3A_365, %mul3A_363 : vector<16xf32>
        %mul3A_367 = arith.mulf %mul3A_358, %sub3A_366 : vector<16xf32>
        %mul3A_368 = arith.constant 5.000000e-01 : f32
        %mul3A_369 = vector.broadcast %mul3A_368 : f32 to vector<16xf32>
        %mul3A_370 = arith.mulf %mul3A_369, %add3A_341 : vector<16xf32>
        %mul3A_371 = arith.mulf %mul3A_370, %mul3A_367 : vector<16xf32>
        %mul3A_372 = arith.mulf %mul3A_371, %mul3A_367 : vector<16xf32>
        %sub3A_373 = arith.constant 1.500000e+00 : f32
        %sub3A_374 = vector.broadcast %sub3A_373 : f32 to vector<16xf32>
        %sub3A_375 = arith.subf %sub3A_374, %mul3A_372 : vector<16xf32>
        %mul3A_376 = arith.mulf %mul3A_367, %sub3A_375 : vector<16xf32>
        %mul3A_377 = arith.mulf %mul3A_376, %mul3A_376 : vector<16xf32>
        %mul3A_378 = arith.mulf %mul3A_377, %mul3A_376 : vector<16xf32>
        %mul3A_379 = arith.mulf %mul3A_378, %mul3A_377 : vector<16xf32>
        %mul3A_380 = arith.mulf %mul3A_379, %mul3A_377 : vector<16xf32>
        %mul3A_381 = arith.mulf %mul3A_380, %mul3A_377 : vector<16xf32>
        %mul3A_382 = arith.constant 3.000000e+00 : f32
        %mul3A_383 = vector.broadcast %mul3A_382 : f32 to vector<16xf32>
        %mul3A_384 = arith.mulf %mul3A_383, %mul3A_379 : vector<16xf32>
        %mul3A_385 = arith.constant 1.500000e+01 : f32
        %mul3A_386 = vector.broadcast %mul3A_385 : f32 to vector<16xf32>
        %mul3A_387 = arith.mulf %mul3A_386, %mul3A_380 : vector<16xf32>
        %mul3A_388 = arith.constant 1.050000e+02 : f32
        %mul3A_389 = vector.broadcast %mul3A_388 : f32 to vector<16xf32>
        %mul3A_390 = arith.mulf %mul3A_389, %mul3A_381 : vector<16xf32>
        %mul3A_391 = arith.constant 3.000000e+00 : f32
        %mul3A_392 = vector.broadcast %mul3A_391 : f32 to vector<16xf32>
        %mul3A_393 = arith.mulf %mul3A_392, %mul3A_384 : vector<16xf32>
        %mul3A_394 = arith.constant 3.000000e+00 : f32
        %mul3A_395 = vector.broadcast %mul3A_394 : f32 to vector<16xf32>
        %mul3A_396 = arith.mulf %mul3A_395, %mul3A_387 : vector<16xf32>
        %sub3A_397 = arith.constant 0.000000e+00 : f32
        %sub3A_398 = vector.broadcast %sub3A_397 : f32 to vector<16xf32>
        %sub3A_399 = arith.subf %sub3A_398, %mul3A_378 : vector<16xf32>
        %sub3A_400 = arith.constant 0.000000e+00 : f32
        %sub3A_401 = vector.broadcast %sub3A_400 : f32 to vector<16xf32>
        %sub3A_402 = arith.subf %sub3A_401, %mul3A_387 : vector<16xf32>
        %mul3A_403 = arith.mulf %add3A_320, %add3A_320 : vector<16xf32>
        %mul3A_404 = arith.mulf %add3A_328, %add3A_328 : vector<16xf32>
        %mul3A_405 = arith.mulf %add3A_336, %add3A_336 : vector<16xf32>
        %mul3A_406 = arith.mulf %add3A_320, %add3A_328 : vector<16xf32>
        %mul3A_407 = arith.mulf %add3A_320, %add3A_336 : vector<16xf32>
        %mul3A_408 = arith.mulf %add3A_328, %add3A_336 : vector<16xf32>
        %mul3A_409 = arith.mulf %mul3A_403, %mul3A_387 : vector<16xf32>
        %mul3A_410 = arith.mulf %mul3A_404, %mul3A_387 : vector<16xf32>
        %mul3A_411 = arith.mulf %mul3A_405, %mul3A_387 : vector<16xf32>
        %mul3A_412 = arith.mulf %mul3A_403, %mul3A_390 : vector<16xf32>
        %mul3A_413 = arith.mulf %mul3A_404, %mul3A_390 : vector<16xf32>
        %mul3A_414 = arith.mulf %mul3A_405, %mul3A_390 : vector<16xf32>
        %mul3A_415 = arith.mulf %gather3A_151, %gather3A_121 : vector<16xf32>
        %mul3A_416 = arith.mulf %mul3A_376, %mul3A_415 : vector<16xf32>
        %mul3A_417 = arith.mulf %gather3A_151, %gather3A_124 : vector<16xf32>
        %neg3A = arith.constant 0.000000e+00 : f32
        %neg3A_418 = vector.broadcast %neg3A : f32 to vector<16xf32>
        %neg3A_419 = arith.subf %neg3A_418, %mul3A_417 : vector<16xf32>
        %mul3A_420 = arith.mulf %gather3A_154, %gather3A_121 : vector<16xf32>
        %add3A_421 = arith.addf %neg3A_419, %mul3A_420 : vector<16xf32>
        %mul3A_422 = arith.mulf %add3A_320, %sub3A_399 : vector<16xf32>
        %mul3A_423 = arith.mulf %mul3A_422, %add3A_421 : vector<16xf32>
        %add3A_424 = arith.addf %mul3A_416, %mul3A_423 : vector<16xf32>
        %mul3A_425 = arith.mulf %gather3A_151, %gather3A_127 : vector<16xf32>
        %neg3A_426 = arith.constant 0.000000e+00 : f32
        %neg3A_427 = vector.broadcast %neg3A_426 : f32 to vector<16xf32>
        %neg3A_428 = arith.subf %neg3A_427, %mul3A_425 : vector<16xf32>
        %mul3A_429 = arith.mulf %gather3A_157, %gather3A_121 : vector<16xf32>
        %add3A_430 = arith.addf %neg3A_428, %mul3A_429 : vector<16xf32>
        %mul3A_431 = arith.mulf %add3A_328, %sub3A_399 : vector<16xf32>
        %mul3A_432 = arith.mulf %mul3A_431, %add3A_430 : vector<16xf32>
        %add3A_433 = arith.addf %add3A_424, %mul3A_432 : vector<16xf32>
        %mul3A_434 = arith.mulf %gather3A_151, %gather3A_130 : vector<16xf32>
        %neg3A_435 = arith.constant 0.000000e+00 : f32
        %neg3A_436 = vector.broadcast %neg3A_435 : f32 to vector<16xf32>
        %neg3A_437 = arith.subf %neg3A_436, %mul3A_434 : vector<16xf32>
        %mul3A_438 = arith.mulf %gather3A_160, %gather3A_121 : vector<16xf32>
        %add3A_439 = arith.addf %neg3A_437, %mul3A_438 : vector<16xf32>
        %mul3A_440 = arith.mulf %add3A_336, %sub3A_399 : vector<16xf32>
        %mul3A_441 = arith.mulf %mul3A_440, %add3A_439 : vector<16xf32>
        %add3A_442 = arith.addf %add3A_433, %mul3A_441 : vector<16xf32>
        %mul3A_443 = arith.mulf %gather3A_151, %gather3A_133 : vector<16xf32>
        %mul3A_444 = arith.mulf %gather3A_154, %gather3A_124 : vector<16xf32>
        %sub3A_445 = arith.subf %mul3A_443, %mul3A_444 : vector<16xf32>
        %mul3A_446 = arith.mulf %gather3A_163, %gather3A_121 : vector<16xf32>
        %add3A_447 = arith.addf %sub3A_445, %mul3A_446 : vector<16xf32>
        %mul3A_448 = arith.mulf %mul3A_403, %mul3A_384 : vector<16xf32>
        %sub3A_449 = arith.subf %mul3A_448, %mul3A_378 : vector<16xf32>
        %mul3A_450 = arith.mulf %sub3A_449, %add3A_447 : vector<16xf32>
        %add3A_451 = arith.addf %add3A_442, %mul3A_450 : vector<16xf32>
        %mul3A_452 = arith.mulf %gather3A_151, %gather3A_136 : vector<16xf32>
        %mul3A_453 = arith.mulf %gather3A_154, %gather3A_127 : vector<16xf32>
        %sub3A_454 = arith.subf %mul3A_452, %mul3A_453 : vector<16xf32>
        %mul3A_455 = arith.mulf %gather3A_157, %gather3A_124 : vector<16xf32>
        %sub3A_456 = arith.subf %sub3A_454, %mul3A_455 : vector<16xf32>
        %mul3A_457 = arith.mulf %gather3A_166, %gather3A_121 : vector<16xf32>
        %add3A_458 = arith.addf %sub3A_456, %mul3A_457 : vector<16xf32>
        %mul3A_459 = arith.mulf %mul3A_406, %mul3A_384 : vector<16xf32>
        %mul3A_460 = arith.mulf %mul3A_459, %add3A_458 : vector<16xf32>
        %add3A_461 = arith.addf %add3A_451, %mul3A_460 : vector<16xf32>
        %mul3A_462 = arith.mulf %gather3A_151, %gather3A_139 : vector<16xf32>
        %mul3A_463 = arith.mulf %gather3A_154, %gather3A_130 : vector<16xf32>
        %sub3A_464 = arith.subf %mul3A_462, %mul3A_463 : vector<16xf32>
        %mul3A_465 = arith.mulf %gather3A_160, %gather3A_124 : vector<16xf32>
        %sub3A_466 = arith.subf %sub3A_464, %mul3A_465 : vector<16xf32>
        %mul3A_467 = arith.mulf %gather3A_169, %gather3A_121 : vector<16xf32>
        %add3A_468 = arith.addf %sub3A_466, %mul3A_467 : vector<16xf32>
        %mul3A_469 = arith.mulf %mul3A_407, %mul3A_384 : vector<16xf32>
        %mul3A_470 = arith.mulf %mul3A_469, %add3A_468 : vector<16xf32>
        %add3A_471 = arith.addf %add3A_461, %mul3A_470 : vector<16xf32>
        %mul3A_472 = arith.mulf %gather3A_151, %gather3A_142 : vector<16xf32>
        %mul3A_473 = arith.mulf %gather3A_157, %gather3A_127 : vector<16xf32>
        %sub3A_474 = arith.subf %mul3A_472, %mul3A_473 : vector<16xf32>
        %mul3A_475 = arith.mulf %gather3A_172, %gather3A_121 : vector<16xf32>
        %add3A_476 = arith.addf %sub3A_474, %mul3A_475 : vector<16xf32>
        %mul3A_477 = arith.mulf %mul3A_404, %mul3A_384 : vector<16xf32>
        %sub3A_478 = arith.subf %mul3A_477, %mul3A_378 : vector<16xf32>
        %mul3A_479 = arith.mulf %sub3A_478, %add3A_476 : vector<16xf32>
        %add3A_480 = arith.addf %add3A_471, %mul3A_479 : vector<16xf32>
        %mul3A_481 = arith.mulf %gather3A_151, %gather3A_145 : vector<16xf32>
        %mul3A_482 = arith.mulf %gather3A_157, %gather3A_130 : vector<16xf32>
        %sub3A_483 = arith.subf %mul3A_481, %mul3A_482 : vector<16xf32>
        %mul3A_484 = arith.mulf %gather3A_160, %gather3A_127 : vector<16xf32>
        %sub3A_485 = arith.subf %sub3A_483, %mul3A_484 : vector<16xf32>
        %mul3A_486 = arith.mulf %gather3A_175, %gather3A_121 : vector<16xf32>
        %add3A_487 = arith.addf %sub3A_485, %mul3A_486 : vector<16xf32>
        %mul3A_488 = arith.mulf %mul3A_408, %mul3A_384 : vector<16xf32>
        %mul3A_489 = arith.mulf %mul3A_488, %add3A_487 : vector<16xf32>
        %add3A_490 = arith.addf %add3A_480, %mul3A_489 : vector<16xf32>
        %mul3A_491 = arith.mulf %gather3A_151, %gather3A_148 : vector<16xf32>
        %mul3A_492 = arith.mulf %gather3A_160, %gather3A_130 : vector<16xf32>
        %sub3A_493 = arith.subf %mul3A_491, %mul3A_492 : vector<16xf32>
        %mul3A_494 = arith.mulf %gather3A_178, %gather3A_121 : vector<16xf32>
        %add3A_495 = arith.addf %sub3A_493, %mul3A_494 : vector<16xf32>
        %mul3A_496 = arith.mulf %mul3A_405, %mul3A_384 : vector<16xf32>
        %sub3A_497 = arith.subf %mul3A_496, %mul3A_378 : vector<16xf32>
        %mul3A_498 = arith.mulf %sub3A_497, %add3A_495 : vector<16xf32>
        %add3A_499 = arith.addf %add3A_490, %mul3A_498 : vector<16xf32>
        %mul3A_500 = arith.mulf %gather3A_154, %gather3A_133 : vector<16xf32>
        %mul3A_501 = arith.mulf %gather3A_163, %gather3A_124 : vector<16xf32>
        %sub3A_502 = arith.subf %mul3A_500, %mul3A_501 : vector<16xf32>
        %sub3A_503 = arith.subf %mul3A_393, %mul3A_409 : vector<16xf32>
        %mul3A_504 = arith.mulf %add3A_320, %sub3A_503 : vector<16xf32>
        %mul3A_505 = arith.mulf %mul3A_504, %sub3A_502 : vector<16xf32>
        %add3A_506 = arith.addf %add3A_499, %mul3A_505 : vector<16xf32>
        %mul3A_507 = arith.mulf %gather3A_154, %gather3A_136 : vector<16xf32>
        %mul3A_508 = arith.mulf %gather3A_157, %gather3A_133 : vector<16xf32>
        %add3A_509 = arith.addf %mul3A_507, %mul3A_508 : vector<16xf32>
        %mul3A_510 = arith.mulf %gather3A_163, %gather3A_127 : vector<16xf32>
        %sub3A_511 = arith.subf %add3A_509, %mul3A_510 : vector<16xf32>
        %mul3A_512 = arith.mulf %gather3A_166, %gather3A_124 : vector<16xf32>
        %sub3A_513 = arith.subf %sub3A_511, %mul3A_512 : vector<16xf32>
        %sub3A_514 = arith.subf %mul3A_384, %mul3A_409 : vector<16xf32>
        %mul3A_515 = arith.mulf %add3A_328, %sub3A_514 : vector<16xf32>
        %mul3A_516 = arith.mulf %mul3A_515, %sub3A_513 : vector<16xf32>
        %add3A_517 = arith.addf %add3A_506, %mul3A_516 : vector<16xf32>
        %mul3A_518 = arith.mulf %gather3A_154, %gather3A_139 : vector<16xf32>
        %mul3A_519 = arith.mulf %gather3A_160, %gather3A_133 : vector<16xf32>
        %add3A_520 = arith.addf %mul3A_518, %mul3A_519 : vector<16xf32>
        %mul3A_521 = arith.mulf %gather3A_163, %gather3A_130 : vector<16xf32>
        %sub3A_522 = arith.subf %add3A_520, %mul3A_521 : vector<16xf32>
        %mul3A_523 = arith.mulf %gather3A_169, %gather3A_124 : vector<16xf32>
        %sub3A_524 = arith.subf %sub3A_522, %mul3A_523 : vector<16xf32>
        %sub3A_525 = arith.subf %mul3A_384, %mul3A_409 : vector<16xf32>
        %mul3A_526 = arith.mulf %add3A_336, %sub3A_525 : vector<16xf32>
        %mul3A_527 = arith.mulf %mul3A_526, %sub3A_524 : vector<16xf32>
        %add3A_528 = arith.addf %add3A_517, %mul3A_527 : vector<16xf32>
        %mul3A_529 = arith.mulf %gather3A_154, %gather3A_142 : vector<16xf32>
        %mul3A_530 = arith.mulf %gather3A_157, %gather3A_136 : vector<16xf32>
        %add3A_531 = arith.addf %mul3A_529, %mul3A_530 : vector<16xf32>
        %mul3A_532 = arith.mulf %gather3A_166, %gather3A_127 : vector<16xf32>
        %sub3A_533 = arith.subf %add3A_531, %mul3A_532 : vector<16xf32>
        %mul3A_534 = arith.mulf %gather3A_172, %gather3A_124 : vector<16xf32>
        %sub3A_535 = arith.subf %sub3A_533, %mul3A_534 : vector<16xf32>
        %sub3A_536 = arith.subf %mul3A_384, %mul3A_410 : vector<16xf32>
        %mul3A_537 = arith.mulf %add3A_320, %sub3A_536 : vector<16xf32>
        %mul3A_538 = arith.mulf %mul3A_537, %sub3A_535 : vector<16xf32>
        %add3A_539 = arith.addf %add3A_528, %mul3A_538 : vector<16xf32>
        %mul3A_540 = arith.mulf %gather3A_154, %gather3A_145 : vector<16xf32>
        %mul3A_541 = arith.mulf %gather3A_157, %gather3A_139 : vector<16xf32>
        %add3A_542 = arith.addf %mul3A_540, %mul3A_541 : vector<16xf32>
        %mul3A_543 = arith.mulf %gather3A_160, %gather3A_136 : vector<16xf32>
        %add3A_544 = arith.addf %add3A_542, %mul3A_543 : vector<16xf32>
        %mul3A_545 = arith.mulf %gather3A_166, %gather3A_130 : vector<16xf32>
        %sub3A_546 = arith.subf %add3A_544, %mul3A_545 : vector<16xf32>
        %mul3A_547 = arith.mulf %gather3A_169, %gather3A_127 : vector<16xf32>
        %sub3A_548 = arith.subf %sub3A_546, %mul3A_547 : vector<16xf32>
        %mul3A_549 = arith.mulf %gather3A_175, %gather3A_124 : vector<16xf32>
        %sub3A_550 = arith.subf %sub3A_548, %mul3A_549 : vector<16xf32>
        %mul3A_551 = arith.mulf %mul3A_406, %sub3A_402 : vector<16xf32>
        %mul3A_552 = arith.mulf %mul3A_551, %add3A_336 : vector<16xf32>
        %mul3A_553 = arith.mulf %mul3A_552, %sub3A_550 : vector<16xf32>
        %add3A_554 = arith.addf %add3A_539, %mul3A_553 : vector<16xf32>
        %mul3A_555 = arith.mulf %gather3A_154, %gather3A_148 : vector<16xf32>
        %mul3A_556 = arith.mulf %gather3A_160, %gather3A_139 : vector<16xf32>
        %add3A_557 = arith.addf %mul3A_555, %mul3A_556 : vector<16xf32>
        %mul3A_558 = arith.mulf %gather3A_169, %gather3A_130 : vector<16xf32>
        %sub3A_559 = arith.subf %add3A_557, %mul3A_558 : vector<16xf32>
        %mul3A_560 = arith.mulf %gather3A_178, %gather3A_124 : vector<16xf32>
        %sub3A_561 = arith.subf %sub3A_559, %mul3A_560 : vector<16xf32>
        %sub3A_562 = arith.subf %mul3A_384, %mul3A_411 : vector<16xf32>
        %mul3A_563 = arith.mulf %add3A_320, %sub3A_562 : vector<16xf32>
        %mul3A_564 = arith.mulf %mul3A_563, %sub3A_561 : vector<16xf32>
        %add3A_565 = arith.addf %add3A_554, %mul3A_564 : vector<16xf32>
        %mul3A_566 = arith.mulf %gather3A_157, %gather3A_142 : vector<16xf32>
        %mul3A_567 = arith.mulf %gather3A_172, %gather3A_127 : vector<16xf32>
        %sub3A_568 = arith.subf %mul3A_566, %mul3A_567 : vector<16xf32>
        %sub3A_569 = arith.subf %mul3A_393, %mul3A_410 : vector<16xf32>
        %mul3A_570 = arith.mulf %add3A_328, %sub3A_569 : vector<16xf32>
        %mul3A_571 = arith.mulf %mul3A_570, %sub3A_568 : vector<16xf32>
        %add3A_572 = arith.addf %add3A_565, %mul3A_571 : vector<16xf32>
        %mul3A_573 = arith.mulf %gather3A_157, %gather3A_145 : vector<16xf32>
        %mul3A_574 = arith.mulf %gather3A_160, %gather3A_142 : vector<16xf32>
        %add3A_575 = arith.addf %mul3A_573, %mul3A_574 : vector<16xf32>
        %mul3A_576 = arith.mulf %gather3A_172, %gather3A_130 : vector<16xf32>
        %sub3A_577 = arith.subf %add3A_575, %mul3A_576 : vector<16xf32>
        %mul3A_578 = arith.mulf %gather3A_175, %gather3A_127 : vector<16xf32>
        %sub3A_579 = arith.subf %sub3A_577, %mul3A_578 : vector<16xf32>
        %sub3A_580 = arith.subf %mul3A_384, %mul3A_410 : vector<16xf32>
        %mul3A_581 = arith.mulf %add3A_336, %sub3A_580 : vector<16xf32>
        %mul3A_582 = arith.mulf %mul3A_581, %sub3A_579 : vector<16xf32>
        %add3A_583 = arith.addf %add3A_572, %mul3A_582 : vector<16xf32>
        %mul3A_584 = arith.mulf %gather3A_157, %gather3A_148 : vector<16xf32>
        %mul3A_585 = arith.mulf %gather3A_160, %gather3A_145 : vector<16xf32>
        %add3A_586 = arith.addf %mul3A_584, %mul3A_585 : vector<16xf32>
        %mul3A_587 = arith.mulf %gather3A_175, %gather3A_130 : vector<16xf32>
        %sub3A_588 = arith.subf %add3A_586, %mul3A_587 : vector<16xf32>
        %mul3A_589 = arith.mulf %gather3A_178, %gather3A_127 : vector<16xf32>
        %sub3A_590 = arith.subf %sub3A_588, %mul3A_589 : vector<16xf32>
        %sub3A_591 = arith.subf %mul3A_384, %mul3A_411 : vector<16xf32>
        %mul3A_592 = arith.mulf %add3A_328, %sub3A_591 : vector<16xf32>
        %mul3A_593 = arith.mulf %mul3A_592, %sub3A_590 : vector<16xf32>
        %add3A_594 = arith.addf %add3A_583, %mul3A_593 : vector<16xf32>
        %mul3A_595 = arith.mulf %gather3A_160, %gather3A_148 : vector<16xf32>
        %mul3A_596 = arith.mulf %gather3A_178, %gather3A_130 : vector<16xf32>
        %sub3A_597 = arith.subf %mul3A_595, %mul3A_596 : vector<16xf32>
        %sub3A_598 = arith.subf %mul3A_393, %mul3A_411 : vector<16xf32>
        %mul3A_599 = arith.mulf %add3A_336, %sub3A_598 : vector<16xf32>
        %mul3A_600 = arith.mulf %mul3A_599, %sub3A_597 : vector<16xf32>
        %add3A_601 = arith.addf %add3A_594, %mul3A_600 : vector<16xf32>
        %mul3A_602 = arith.mulf %gather3A_163, %gather3A_133 : vector<16xf32>
        %mul3A_603 = arith.mulf %mul3A_403, %mul3A_412 : vector<16xf32>
        %mul3A_604 = arith.constant 6.000000e+00 : f32
        %mul3A_605 = vector.broadcast %mul3A_604 : f32 to vector<16xf32>
        %mul3A_606 = arith.mulf %mul3A_605, %mul3A_409 : vector<16xf32>
        %sub3A_607 = arith.subf %mul3A_603, %mul3A_606 : vector<16xf32>
        %add3A_608 = arith.addf %sub3A_607, %mul3A_393 : vector<16xf32>
        %mul3A_609 = arith.mulf %add3A_608, %mul3A_602 : vector<16xf32>
        %add3A_610 = arith.addf %add3A_601, %mul3A_609 : vector<16xf32>
        %mul3A_611 = arith.mulf %gather3A_163, %gather3A_136 : vector<16xf32>
        %mul3A_612 = arith.mulf %gather3A_166, %gather3A_133 : vector<16xf32>
        %add3A_613 = arith.addf %mul3A_611, %mul3A_612 : vector<16xf32>
        %sub3A_614 = arith.subf %mul3A_412, %mul3A_396 : vector<16xf32>
        %mul3A_615 = arith.mulf %mul3A_406, %sub3A_614 : vector<16xf32>
        %mul3A_616 = arith.mulf %mul3A_615, %add3A_613 : vector<16xf32>
        %add3A_617 = arith.addf %add3A_610, %mul3A_616 : vector<16xf32>
        %mul3A_618 = arith.mulf %gather3A_163, %gather3A_139 : vector<16xf32>
        %mul3A_619 = arith.mulf %gather3A_169, %gather3A_133 : vector<16xf32>
        %add3A_620 = arith.addf %mul3A_618, %mul3A_619 : vector<16xf32>
        %sub3A_621 = arith.subf %mul3A_412, %mul3A_396 : vector<16xf32>
        %mul3A_622 = arith.mulf %mul3A_407, %sub3A_621 : vector<16xf32>
        %mul3A_623 = arith.mulf %mul3A_622, %add3A_620 : vector<16xf32>
        %add3A_624 = arith.addf %add3A_617, %mul3A_623 : vector<16xf32>
        %mul3A_625 = arith.mulf %gather3A_163, %gather3A_142 : vector<16xf32>
        %mul3A_626 = arith.mulf %gather3A_166, %gather3A_136 : vector<16xf32>
        %add3A_627 = arith.addf %mul3A_625, %mul3A_626 : vector<16xf32>
        %mul3A_628 = arith.mulf %gather3A_172, %gather3A_133 : vector<16xf32>
        %add3A_629 = arith.addf %add3A_627, %mul3A_628 : vector<16xf32>
        %mul3A_630 = arith.mulf %mul3A_404, %mul3A_412 : vector<16xf32>
        %add3A_631 = arith.addf %mul3A_409, %mul3A_410 : vector<16xf32>
        %sub3A_632 = arith.subf %mul3A_630, %add3A_631 : vector<16xf32>
        %add3A_633 = arith.addf %sub3A_632, %mul3A_384 : vector<16xf32>
        %mul3A_634 = arith.mulf %add3A_633, %add3A_629 : vector<16xf32>
        %add3A_635 = arith.addf %add3A_624, %mul3A_634 : vector<16xf32>
        %mul3A_636 = arith.mulf %gather3A_163, %gather3A_145 : vector<16xf32>
        %mul3A_637 = arith.mulf %gather3A_166, %gather3A_139 : vector<16xf32>
        %add3A_638 = arith.addf %mul3A_636, %mul3A_637 : vector<16xf32>
        %mul3A_639 = arith.mulf %gather3A_169, %gather3A_136 : vector<16xf32>
        %add3A_640 = arith.addf %add3A_638, %mul3A_639 : vector<16xf32>
        %mul3A_641 = arith.mulf %gather3A_175, %gather3A_133 : vector<16xf32>
        %add3A_642 = arith.addf %add3A_640, %mul3A_641 : vector<16xf32>
        %sub3A_643 = arith.subf %mul3A_412, %mul3A_387 : vector<16xf32>
        %mul3A_644 = arith.mulf %mul3A_408, %sub3A_643 : vector<16xf32>
        %mul3A_645 = arith.mulf %mul3A_644, %add3A_642 : vector<16xf32>
        %add3A_646 = arith.addf %add3A_635, %mul3A_645 : vector<16xf32>
        %mul3A_647 = arith.mulf %gather3A_163, %gather3A_148 : vector<16xf32>
        %mul3A_648 = arith.mulf %gather3A_169, %gather3A_139 : vector<16xf32>
        %add3A_649 = arith.addf %mul3A_647, %mul3A_648 : vector<16xf32>
        %mul3A_650 = arith.mulf %gather3A_178, %gather3A_133 : vector<16xf32>
        %add3A_651 = arith.addf %add3A_649, %mul3A_650 : vector<16xf32>
        %mul3A_652 = arith.mulf %mul3A_405, %mul3A_412 : vector<16xf32>
        %add3A_653 = arith.addf %mul3A_409, %mul3A_411 : vector<16xf32>
        %sub3A_654 = arith.subf %mul3A_652, %add3A_653 : vector<16xf32>
        %add3A_655 = arith.addf %sub3A_654, %mul3A_384 : vector<16xf32>
        %mul3A_656 = arith.mulf %add3A_655, %add3A_651 : vector<16xf32>
        %add3A_657 = arith.addf %add3A_646, %mul3A_656 : vector<16xf32>
        %mul3A_658 = arith.mulf %gather3A_166, %gather3A_142 : vector<16xf32>
        %mul3A_659 = arith.mulf %gather3A_172, %gather3A_136 : vector<16xf32>
        %add3A_660 = arith.addf %mul3A_658, %mul3A_659 : vector<16xf32>
        %sub3A_661 = arith.subf %mul3A_413, %mul3A_396 : vector<16xf32>
        %mul3A_662 = arith.mulf %mul3A_406, %sub3A_661 : vector<16xf32>
        %mul3A_663 = arith.mulf %mul3A_662, %add3A_660 : vector<16xf32>
        %add3A_664 = arith.addf %add3A_657, %mul3A_663 : vector<16xf32>
        %mul3A_665 = arith.mulf %gather3A_166, %gather3A_145 : vector<16xf32>
        %mul3A_666 = arith.mulf %gather3A_169, %gather3A_142 : vector<16xf32>
        %add3A_667 = arith.addf %mul3A_665, %mul3A_666 : vector<16xf32>
        %mul3A_668 = arith.mulf %gather3A_172, %gather3A_139 : vector<16xf32>
        %add3A_669 = arith.addf %add3A_667, %mul3A_668 : vector<16xf32>
        %mul3A_670 = arith.mulf %gather3A_175, %gather3A_136 : vector<16xf32>
        %add3A_671 = arith.addf %add3A_669, %mul3A_670 : vector<16xf32>
        %sub3A_672 = arith.subf %mul3A_413, %mul3A_387 : vector<16xf32>
        %mul3A_673 = arith.mulf %mul3A_407, %sub3A_672 : vector<16xf32>
        %mul3A_674 = arith.mulf %mul3A_673, %add3A_671 : vector<16xf32>
        %add3A_675 = arith.addf %add3A_664, %mul3A_674 : vector<16xf32>
        %mul3A_676 = arith.mulf %gather3A_166, %gather3A_148 : vector<16xf32>
        %mul3A_677 = arith.mulf %gather3A_169, %gather3A_145 : vector<16xf32>
        %add3A_678 = arith.addf %mul3A_676, %mul3A_677 : vector<16xf32>
        %mul3A_679 = arith.mulf %gather3A_175, %gather3A_139 : vector<16xf32>
        %add3A_680 = arith.addf %add3A_678, %mul3A_679 : vector<16xf32>
        %mul3A_681 = arith.mulf %gather3A_178, %gather3A_136 : vector<16xf32>
        %add3A_682 = arith.addf %add3A_680, %mul3A_681 : vector<16xf32>
        %sub3A_683 = arith.subf %mul3A_414, %mul3A_387 : vector<16xf32>
        %mul3A_684 = arith.mulf %mul3A_406, %sub3A_683 : vector<16xf32>
        %mul3A_685 = arith.mulf %mul3A_684, %add3A_682 : vector<16xf32>
        %add3A_686 = arith.addf %add3A_675, %mul3A_685 : vector<16xf32>
        %mul3A_687 = arith.mulf %gather3A_169, %gather3A_148 : vector<16xf32>
        %mul3A_688 = arith.mulf %gather3A_178, %gather3A_139 : vector<16xf32>
        %add3A_689 = arith.addf %mul3A_687, %mul3A_688 : vector<16xf32>
        %sub3A_690 = arith.subf %mul3A_414, %mul3A_396 : vector<16xf32>
        %mul3A_691 = arith.mulf %mul3A_407, %sub3A_690 : vector<16xf32>
        %mul3A_692 = arith.mulf %mul3A_691, %add3A_689 : vector<16xf32>
        %add3A_693 = arith.addf %add3A_686, %mul3A_692 : vector<16xf32>
        %mul3A_694 = arith.mulf %gather3A_172, %gather3A_142 : vector<16xf32>
        %mul3A_695 = arith.mulf %mul3A_404, %mul3A_413 : vector<16xf32>
        %mul3A_696 = arith.constant 6.000000e+00 : f32
        %mul3A_697 = vector.broadcast %mul3A_696 : f32 to vector<16xf32>
        %mul3A_698 = arith.mulf %mul3A_697, %mul3A_410 : vector<16xf32>
        %sub3A_699 = arith.subf %mul3A_695, %mul3A_698 : vector<16xf32>
        %add3A_700 = arith.addf %sub3A_699, %mul3A_393 : vector<16xf32>
        %mul3A_701 = arith.mulf %add3A_700, %mul3A_694 : vector<16xf32>
        %add3A_702 = arith.addf %add3A_693, %mul3A_701 : vector<16xf32>
        %mul3A_703 = arith.mulf %gather3A_172, %gather3A_145 : vector<16xf32>
        %mul3A_704 = arith.mulf %gather3A_175, %gather3A_142 : vector<16xf32>
        %add3A_705 = arith.addf %mul3A_703, %mul3A_704 : vector<16xf32>
        %sub3A_706 = arith.subf %mul3A_413, %mul3A_396 : vector<16xf32>
        %mul3A_707 = arith.mulf %mul3A_408, %sub3A_706 : vector<16xf32>
        %mul3A_708 = arith.mulf %mul3A_707, %add3A_705 : vector<16xf32>
        %add3A_709 = arith.addf %add3A_702, %mul3A_708 : vector<16xf32>
        %mul3A_710 = arith.mulf %gather3A_172, %gather3A_148 : vector<16xf32>
        %mul3A_711 = arith.mulf %gather3A_175, %gather3A_145 : vector<16xf32>
        %add3A_712 = arith.addf %mul3A_710, %mul3A_711 : vector<16xf32>
        %mul3A_713 = arith.mulf %gather3A_178, %gather3A_142 : vector<16xf32>
        %add3A_714 = arith.addf %add3A_712, %mul3A_713 : vector<16xf32>
        %mul3A_715 = arith.mulf %mul3A_405, %mul3A_413 : vector<16xf32>
        %add3A_716 = arith.addf %mul3A_410, %mul3A_411 : vector<16xf32>
        %sub3A_717 = arith.subf %mul3A_715, %add3A_716 : vector<16xf32>
        %add3A_718 = arith.addf %sub3A_717, %mul3A_384 : vector<16xf32>
        %mul3A_719 = arith.mulf %add3A_718, %add3A_714 : vector<16xf32>
        %add3A_720 = arith.addf %add3A_709, %mul3A_719 : vector<16xf32>
        %mul3A_721 = arith.mulf %gather3A_175, %gather3A_148 : vector<16xf32>
        %mul3A_722 = arith.mulf %gather3A_178, %gather3A_145 : vector<16xf32>
        %add3A_723 = arith.addf %mul3A_721, %mul3A_722 : vector<16xf32>
        %sub3A_724 = arith.subf %mul3A_414, %mul3A_396 : vector<16xf32>
        %mul3A_725 = arith.mulf %mul3A_408, %sub3A_724 : vector<16xf32>
        %mul3A_726 = arith.mulf %mul3A_725, %add3A_723 : vector<16xf32>
        %add3A_727 = arith.addf %add3A_720, %mul3A_726 : vector<16xf32>
        %mul3A_728 = arith.mulf %gather3A_178, %gather3A_148 : vector<16xf32>
        %mul3A_729 = arith.mulf %mul3A_405, %mul3A_414 : vector<16xf32>
        %mul3A_730 = arith.constant 6.000000e+00 : f32
        %mul3A_731 = vector.broadcast %mul3A_730 : f32 to vector<16xf32>
        %mul3A_732 = arith.mulf %mul3A_731, %mul3A_411 : vector<16xf32>
        %sub3A_733 = arith.subf %mul3A_729, %mul3A_732 : vector<16xf32>
        %add3A_734 = arith.addf %sub3A_733, %mul3A_393 : vector<16xf32>
        %mul3A_735 = arith.mulf %add3A_734, %mul3A_728 : vector<16xf32>
        %add3A_736 = arith.addf %add3A_727, %mul3A_735 : vector<16xf32>
        %add3A_737 = vector.broadcast %add3A_79 : i32 to vector<16xi32>
        %add3A_738 = arith.addi %add3A_737, %add3A_101 : vector<16xi32>
        %le3A = arith.constant 1.000000e+04 : f32
        %le3A_739 = vector.broadcast %le3A : f32 to vector<16xf32>
        %le3A_740 = arith.cmpf ole, %add3A_341, %le3A_739 : vector<16xf32>
        %lt3A = arith.constant 800000 : i32
        %lt3A_741 = vector.broadcast %lt3A : i32 to vector<16xi32>
        %lt3A_742 = arith.cmpi slt, %add3A_738, %lt3A_741 : vector<16xi32>
        %and3A_743 = arith.andi %le3A_740, %lt3A_742 : vector<16xi1>
        %jit3A = arith.constant 0.000000e+00 : f32
        %broadcast_in_dim3A_744 = vector.broadcast %jit3A : f32 to vector<16xf32>
        %select_n3A = arith.select %and3A_743, %add3A_736, %broadcast_in_dim3A_744 : vector<16xi1>, vector<16xf32>
        %add3A_745 = arith.addf %scan3A_97, %select_n3A : vector<16xf32>
        scf.yield %add3A_745 : vector<16xf32>
      }
      %scan3A_95 = arith.constant 8 : i32
      scf.yield %scan3A_94 : vector<16xf32>
    }
    %scan3A_73 = arith.constant 196 : i32
    %swap3A = arith.constant 0 : index
    %swap3A_74 = tpu.vector_load %arg12[%swap3A] {strides = array<i32>} : memref<16xf32, #tpu.memory_space<vmem>>, vector<16xf32>,
    tpu.vector_store %arg12[%swap3A], %scan3A_72 {strides = array<i32>} : memref<16xf32, #tpu.memory_space<vmem>>, vector<16xf32>,
    "tpu.region"() ({
      %run_scoped3A = tpu.sem_alloc : memref<!tpu.dma_semaphore, #tpu.memory_space<semaphore_mem>>
      %dma_start3A = arith.constant 0 : i32
      %dma_start3A_75 = tpu.memref_slice %arg6[%add3A, %dma_start3A] : memref<32x16xf32, #tpu.memory_space<hbm>> -> memref<1x16xf32, #tpu.memory_space<hbm>>
      %dma_start3A_76 = tpu.memref_squeeze %dma_start3A_75 : memref<1x16xf32, #tpu.memory_space<hbm>> -> memref<16xf32, #tpu.memory_space<hbm>>
      %dma_start3A_77 = arith.constant 0 : i32
      %dma_start3A_78 = tpu.memref_slice %arg6[%add3A, %dma_start3A_77] : memref<32x16xf32, #tpu.memory_space<hbm>> -> memref<1x16xf32, #tpu.memory_space<hbm>>
      %dma_start3A_79 = tpu.memref_squeeze %dma_start3A_78 : memref<1x16xf32, #tpu.memory_space<hbm>> -> memref<16xf32, #tpu.memory_space<hbm>>
      tpu.enqueue_dma source(%arg12 : memref<16xf32, #tpu.memory_space<vmem>>) target(%dma_start3A_79 : memref<16xf32, #tpu.memory_space<hbm>>) target_semaphore(%run_scoped3A : memref<!tpu.dma_semaphore, #tpu.memory_space<semaphore_mem>>)
      %dma_wait3A = arith.constant 0 : i32
      %dma_wait3A_80 = tpu.memref_slice %arg6[%add3A, %dma_wait3A] : memref<32x16xf32, #tpu.memory_space<hbm>> -> memref<1x16xf32, #tpu.memory_space<hbm>>
      %dma_wait3A_81 = tpu.memref_squeeze %dma_wait3A_80 : memref<1x16xf32, #tpu.memory_space<hbm>> -> memref<16xf32, #tpu.memory_space<hbm>>
      %dma_wait3A_82 = arith.constant 0 : i32
      %dma_wait3A_83 = tpu.memref_slice %arg6[%add3A, %dma_wait3A_82] : memref<32x16xf32, #tpu.memory_space<hbm>> -> memref<1x16xf32, #tpu.memory_space<hbm>>
      %dma_wait3A_84 = tpu.memref_squeeze %dma_wait3A_83 : memref<1x16xf32, #tpu.memory_space<hbm>> -> memref<16xf32, #tpu.memory_space<hbm>>
      tpu.wait_dma2 semaphore(%run_scoped3A : memref<!tpu.dma_semaphore, #tpu.memory_space<semaphore_mem>>) src(%arg12 : memref<16xf32, #tpu.memory_space<vmem>>) dst(%dma_wait3A_84 : memref<16xf32, #tpu.memory_space<hbm>>)
      tpu.yield
    }) : () -> ()
    return
  }
}

</mosaic_0001>

<sc_bundles>
// kernel: _sc_call.3.cloned.1.call-start
scs
__scs_entry_jumppad:
0x0: {  	(pc) =	sbr.rel $0x88, $3  }
0x1: {  	(tag) =	ssettag $0x0;
	lr =	simm.s32 $0x1  }
0x2: {  	[smem:$0x3F9D] =	sst lr;
	_ =	strace $0xD0000000  }
0x3: {  	_ = 	snop  }
0x4: {  	_ = 	snop  }
0x5: {  	_ = 	snop  }
0x6: {  	_ = 	snop  }
0x7: {  	_ = 	snop  }
__scs_overlays_trampoline_lowered:
0x8: {  	[smem:$0x3FAC] =	sst s0  }
0x9: {  	[smem:$0x3FAD] =	sst s1  }
0xa: {  	[smem:$0x3FAE] =	sst s2  }
0xb: {  	[smem:$0x3FAF] =	sst s3  }
0xc: {  	[smem:$0x3FB0] =	sst s4  }
0xd: {  	[smem:$0x3FB1] =	sst s5  }
0xe: {  	[smem:$0x3FB2] =	sst s6  }
0xf: {  	[smem:$0x3FB3] =	sst s7  }
0x10: {  	[smem:$0x3FB4] =	sst s8  }
0x11: {  	[smem:$0x3FB5] =	sst s9;
	s0 =	simm.s32 @!p0 $0x0  }
0x12: {  	s1 =	sld [smem:$0x3F9B];
	s0 =	simm.s32 @p0 $0x1  }
0x13: {  	[smem:$0x3FB6] =	sst s0;
	s0 =	simm.s32 @!p1 $0x0  }
0x14: {  	s2 =	sld [smem:$0x3F9A];
	s0 =	simm.s32 @p1 $0x1  }
0x15: {  	[smem:$0x3FB7] =	sst s0;
	s0 =	simm.s32 @!p2 $0x0  }
0x16: {  	s3 =	sld [smem:$0x3FDB];
	s0 =	simm.s32 @p2 $0x1  }
0x17: {  	s4 =	simm.s32 $0x1BF5;
	[smem:$0x3FB9] =	sst s0  }
0x18: {  	s0 =	sld [smem:$0x3F9C];
	_ =	swait.ge [sflag:s4], $0x0  }
0x19: {  	s7 =	sld [smem:$0x3F9D]  }
0x1a: {  	s8 =	sadd.s32 $0xFFFFE003, lr  }
0x1b: {  	s9 =	sadd.s32 $0xFFFFFEF7, lr;
	s5 =	simm.s32 $0xFFFFFFFF;
	p2 =	slt.u32 s8, $0xFFFFF086  }
0x1c: {  	p1 =	slt.u32 s9, $0xF7A;
	s5 =	simm.s32 @!p2 $0x0  }
0x1d: {  	s5 =	simm.s32 @p1 $0x1;
	p0 =	seq.s32 s7, s2  }
0x1e: {  	s7 =	smul.u32 @!p0 $0xF7A, s2;
	p2 =	seq.s32 @!p0 s5, $0x0  }
0x1f: {  	s9 =	smul.u32 $0xF7A, s1;
	s8 =	simm.s32 @!p0 $0x1BF5;
	p2 =	por !p2, p0  }
0x20: {  	[sflag:s8] =	ssyncset.s32 @!p0 $0xFFFFF086;
	s6 =	sadd.s32 @!p0 s3, s7;
	s7 =	simm.s32 @!p0 $0x108  }
0x21: {  	s3 =	sadd.s32 s3, s9;
	s6 =	sadd.s32 @!p0 $0x88, s6;
	s7 =	simm.s32 @p2 $0x1082  }
0x22: {  	[simem:s7], [sflag:s8] =	dma.local @!p0 [hbm:s6], $0xF7A  }
0x23: {  	s9 =	sor.u32 $0xD0000000, s2;
	s6 =	simm.s32 $0x108;
	_ =	swait.ge @!p0 [sflag:s8], $0x0  }
0x24: {  	s3 =	sadd.s32 $0x88, s3;
	s6 =	simm.s32 @!p1 $0x1082;
	[sflag:s4] =	ssyncset.s32 $0xFFFFF086  }
0x25: {  	[simem:s6], [sflag:s4] =	dma.local [hbm:s3], $0xF7A  }
0x26: {  	[smem:$0x3F9D] =	sst s1;
	(tag) =	ssettag s2;
	_ =	strace s9  }
0x27: {  	s1 =	sld [smem:$0x3FAD]  }
0x28: {  	s2 =	sld [smem:$0x3FAE]  }
0x29: {  	s4 =	sld [smem:$0x3FB0]  }
0x2a: {  	p0 =	seq.s32 s5, $0x0;
	s5 =	sld [smem:$0x3FB1]  }
0x2b: {  	s6 =	sld [smem:$0x3FB2]  }
0x2c: {  	s7 =	sld [smem:$0x3FB3]  }
0x2d: {  	s3 =	simm.s32 $0x108;
	s8 =	sld [smem:$0x3FB4]  }
0x2e: {  	s3 =	simm.s32 @!p0 $0x1082;
	s9 =	sld [smem:$0x3FB5]  }
0x2f: {  	lr =	sadd.s32 s0, s3;
	s0 =	sld [smem:$0x3FAC]  }
0x30: {  	s3 =	sld [smem:$0x3FAF]  }
0x31: {  	[smem:$0x3FB8] =	sst s10  }
0x32: {  	s10 =	sld [smem:$0x3FB6];
	_ =	sdelay $0x3  }
0x33: {  	p0 =	seq.s32 s10, $0x1;
	s10 =	sld [smem:$0x3FB8];
	_ =	sdelay $0x3  }
0x34: {  	[smem:$0x3FB8] =	sst s10  }
0x35: {  	s10 =	sld [smem:$0x3FB7];
	_ =	sdelay $0x3  }
0x36: {  	p1 =	seq.s32 s10, $0x1;
	s10 =	sld [smem:$0x3FB8];
	_ =	sdelay $0x3  }
0x37: {  	[smem:$0x3FB8] =	sst s10  }
0x38: {  	s10 =	sld [smem:$0x3FB9]  }
0x39: {  	_ = 	snop;
	(pc) =	sbr.ind lr, $3  }
0x3a: {  	_ = 	snop  }
0x3b: {  	_ = 	snop  }
0x3c: {  	p2 =	seq.s32 s10, $0x1;
	s10 =	sld [smem:$0x3FB8]  }
0x3d: {  	_ =	shalt  }
0x3e: {  	_ =	shalt  }
0x3f: {  	_ =	shalt  }
0x40: {  	_ =	shalt  }
0x41: {  	_ =	shalt  }
0x42: {  	_ =	shalt  }
0x43: {  	_ =	shalt  }
0x44: {  	_ =	shalt  }
0x45: {  	_ =	shalt  }
0x46: {  	_ =	shalt  }
0x47: {  	_ =	shalt  }
0x48: {  	_ =	shalt  }
0x49: {  	_ =	shalt  }
0x4a: {  	_ =	shalt  }
0x4b: {  	_ =	shalt  }
0x4c: {  	_ =	shalt  }
0x4d: {  	_ =	shalt  }
0x4e: {  	_ =	shalt  }
0x4f: {  	_ =	shalt  }
0x50: {  	_ =	shalt  }
0x51: {  	_ =	shalt  }
0x52: {  	_ =	shalt  }
0x53: {  	_ =	shalt  }
0x54: {  	_ =	shalt  }
0x55: {  	_ =	shalt  }
0x56: {  	_ =	shalt  }
0x57: {  	_ =	shalt  }
0x58: {  	_ =	shalt  }
0x59: {  	_ =	shalt  }
0x5a: {  	_ =	shalt  }
0x5b: {  	_ =	shalt  }
0x5c: {  	_ =	shalt  }
0x5d: {  	_ =	shalt  }
0x5e: {  	_ =	shalt  }
0x5f: {  	_ =	shalt  }
0x60: {  	_ =	shalt  }
0x61: {  	_ =	shalt  }
0x62: {  	_ =	shalt  }
0x63: {  	_ =	shalt  }
0x64: {  	_ =	shalt  }
0x65: {  	_ =	shalt  }
0x66: {  	_ =	shalt  }
0x67: {  	_ =	shalt  }
0x68: {  	_ =	shalt  }
0x69: {  	_ =	shalt  }
0x6a: {  	_ =	shalt  }
0x6b: {  	_ =	shalt  }
0x6c: {  	_ =	shalt  }
0x6d: {  	_ =	shalt  }
0x6e: {  	_ =	shalt  }
0x6f: {  	_ =	shalt  }
0x70: {  	_ =	shalt  }
0x71: {  	_ =	shalt  }
0x72: {  	_ =	shalt  }
0x73: {  	_ =	shalt  }
0x74: {  	_ =	shalt  }
0x75: {  	_ =	shalt  }
0x76: {  	_ =	shalt  }
0x77: {  	_ =	shalt  }
0x78: {  	_ =	shalt  }
0x79: {  	_ =	shalt  }
0x7a: {  	_ =	shalt  }
0x7b: {  	_ =	shalt  }
0x7c: {  	_ =	shalt  }
0x7d: {  	_ =	shalt  }
0x7e: {  	_ =	shalt  }
0x7f: {  	_ =	shalt  }
0x80: {  	_ =	shalt  }
0x81: {  	_ =	shalt  }
0x82: {  	_ =	shalt  }
0x83: {  	_ =	shalt  }
0x84: {  	_ =	shalt  }
0x85: {  	_ =	shalt  }
0x86: {  	_ =	shalt  }
0x87: {  	_ =	shalt  }
.Lfunc_end0:
.L_simem_size_0:
called_computation_lowered:
.L_overlay_start_0:
0x88: {  	s2 =	sld [smem:$0x3FD9]  }
0x89: {  	s3 =	sld [smem:$0x3FFE];
	_ =	sdelay $0x1  }
0x8a: {  	s1 =	srdreg.scid  }
0x8b: {  	s0 =	sand.u32 $0x1, s1  }
0x8c: {  	s17 =	sshll.u32 s0, $0xA;
	s2 =	sadd.s32 s3, s2  }
0x8d: {  	s2 =	sadd.s32 s2, s17  }
0x8e: {  	[smem:$0x3FC4] =	sst s2  }
0x8f: {  	_ = 	snop  }
0x90: {  	s2 =	sld [smem:$0x3FC8]  }
0x91: {  	s18 =	sld [smem:$0x3FC7]  }
0x92: {  	s4 =	sld [smem:$0x3FC6]  }
0x93: {  	s5 =	sld [smem:$0x3FD0];
	(tm) =	ssettm $0x1  }
0x94: {  	s6 =	sld [smem:$0x3FFB];
	_ =	sdelay $0x3  }
0x95: {  	_ =	strace s6  }
0x96: {  	s6 =	sld [smem:$0x3FFC];
	_ =	sdelay $0x3  }
0x97: {  	_ =	strace s6  }
0x98: {  	s6 =	sld [smem:$0x3FFD];
	_ =	sdelay $0x3  }
0x99: {  	_ =	strace s6  }
0x9a: {  	_ =	strace $0x8FFFFFFF  }
0x9b: {  	s19 =	sld [smem:$0x3FDB];
	_ =	sdelay $0x1  }
0x9c: {  	s7 =	simm.s32 $_scs_section_size  }
0x9d: {  	s8 =	simm.s32 $_size__tile_overlayer_lowered;
	s9 =	simm.s32 $_tile_overlayer_lowered  }
0x9e: {  	s22 =	simm.s32 $0x1BFF;
	s21 =	sshll.u32 s9, $0x1;
	s6 =	sadd.s32 s7, s19  }
0x9f: {  	s10 =	simm.s32 $0x0;
	s20 =	sshll.u32 s8, $0x1;
	s8 =	sadd.s32 s21, s6  }
0xa0: {  	[timem:s10], [sflag:s22] =	dma.local [hbm:s8], s20  }
0xa1: {  	_ =	swait.ge [sflag:s22], s20  }
0xa2: {  	s7 =	ssub.s32 $0x0, s20;
	[sflag:s22] =	ssyncset.done $0x0  }
0xa3: {  	[sflag:s22] =	ssyncadd.s32 s7;
	_ =	sdelay $0x1  }
0xa4: {  	s23 =	simm.s32 $0x1B8B  }
0xa5: {  	_ =	swait.ge [sflag:s23], $0x1  }
0xa6: {  	[sflag:s23] =	ssyncset.done $0x0  }
0xa7: {  	s25 =	simm.s32 $0x1B8E;
	s24 =	sld [smem:$0x3FFE];
	[sflag:s23] =	ssyncadd.s32 $0xFFFFFFFF  }
0xa8: {  	s26 =	simm.s32 $execute0_lowered;
	[smem:$0x3FD2] =	sst s25  }
0xa9: {  	s8 =	sshll.u32 s26, $0x1;
	_ =	strace $0x80000046;
	[dreg:$0x1] =	wrdreg $0xFFFFFFFF  }
0xaa: {  	s28 =	simm.s32 $_size_execute0_lowered;
	s6 =	sadd.s32 s6, s8;
	[dreg:$0x0] =	wrdreg $0x0  }
0xab: {  	s8 =	sshll.u32 s28, $0x1;
	[dreg:$0x2] =	wrdreg s6  }
0xac: {  	[dreg:$0x3] =	wrdreg s8  }
0xad: {  	[dreg:$0x4] =	wrdreg $0xC0  }
0xae: {  	_ =	task [dreg:s10], $0x5FFFF  }
0xaf: {  	[dreg:$0x1] =	wrdreg $0xFFFFFFFF  }
0xb0: {  	[dreg:$0x0] =	wrdreg $0x60  }
0xb1: {  	[dreg:$0x2] =	wrdreg s24  }
0xb2: {  	[dreg:$0x3] =	wrdreg s2  }
0xb3: {  	[dreg:$0x4] =	wrdreg s18  }
0xb4: {  	[dreg:$0x5] =	wrdreg s4  }
0xb5: {  	[dreg:$0x6] =	wrdreg s5  }
0xb6: {  	[dreg:$0x7] =	wrdreg $0x9  }
0xb7: {  	_ =	task.clear_ibuf [dreg:s10], $0x8FFFF;
	_ =	strace $0x90000046  }
0xb8: {  	s29 =	simm.s32 $0x9;
	_ =	strace $0x80000048  }
0xb9: {  	_ =	swait.ge [sflag:s29], $0x1  }
0xba: {  	[sflag:s29] =	ssyncadd.s32 $0xFFFFFFFF  }
0xbb: {  	_ =	strace $0x90000048  }
0xbc: {  	_ =	sfence  }
0xbd: {  	s30 =	sld [smem:$0x0];
	_ =	sdelay $0x2  }
0xbe: {  	s31 =	sshll.u32 s1, $0xD;
	s1 =	sshrl.u32 s1, $0x2  }
0xbf: {  	s3 =	sand.u32 $0x4000, s31;
	s1 =	sadd.s32 s1, s30  }
0xc0: {  	s0 =	sor.u32 s3, s0;
	s1 =	sshll.u32 s1, $0x11  }
0xc1: {  	s0 =	sor.u32 s1, s0  }
0xc2: {  	s0 =	sadd.s32 $0x8F2B, s0  }
0xc3: {  	[sflag:s0] =	ssyncadd.remote.s32 $0x1  }
0xc4: {  	_ =	sfence.sel $0xFFFF  }
0xc5: {  	[dreg:$0x0] =	wrdreg $0xFFFFFFFF;
	(pc) =	sbr.abs _section_cstart, $3  }
0xc6: {  	[dreg:$0x1] =	wrdreg $0xFFFFFFFF  }
0xc7: {  	_ =	task.clear_ibuf [dreg:s10], $0x2FFFF;
	_ =	strace $0x9FFFFFFF  }
0xc8: {  	(tm) =	ssettm $0x7FFFFFFF  }
0xc9: {  	_ =	shalt  }
tec
execute0_lowered:
.L_overlay_start_1:
0x0: {  	(tag) =	ssettag $0x1  }
0x1: {  	s6 =	rddreg [dreg:$0x0]  }
0x2: {  	s1 =	rddreg [dreg:$0x1]  }
0x3: {  	s2 =	rddreg [dreg:$0x2]  }
0x4: {  	s3 =	rddreg [dreg:$0x3]  }
0x5: {  	s8 =	rddreg [dreg:$0x4]  }
0x6: {  	s0 =	rddreg [dreg:$0x5]  }
0x7: {  	s5 =	simm.s32 $0x0;
	s7 =	srdreg.scid;
	s4 =	stileid.u32  }
0x8: {  	s12 =	simm.s32 $0x80;
	s13 =	simm.s32 $0x100;
	s14 =	simm.s32 $0x900  }
0x9: {  	s15 =	simm.s32 $0x1;
	s16 =	simm.s32 $0x1120;
	s17 =	simm.s32 $0x0  }
0xa: {  	[smem:$0x7FF] =	sst s5;
	s7 =	sand.u32 $0x1, s7;
	s9 =	sshll.u32 s4, $0x1  }
0xb: {  	v0 =	vlaneseq.u32;
	s6 =	sadd.s32 $0x400, s6;
	s10 =	ssub.s32 $0x2, s7;
	s7 =	sor.u32 s7, s9  }
0xc: {  	v2 =	vmul.u32 $0x10, v0;
	_ =	strace $0x80000047;
	s31 =	sshrl.u32 s10, $0x1;
	s11 =	sshll.u32 s7, $0x1  }
0xd: {  	s7 =	smul.u32 $0x6200, s7;
	s9 =	ssub.s32 s10, s31;
	s8 =	sadd.s32 s8, s11  }
0xe: {  	vm0 =	vmxor vm0, vm0;
	[tilespmem:$0x1FFF0] =	vst v2;
	s10 =	simm.s32 $0x1100;
	s11 =	simm.s32 $0x2;
	s9 =	smax.u32 s9, $0x1  }
.LBB2_1:
0xf: {  	[tilespmem:s10], [sflag:$0x2] =	stream.linear.gather [hbm4b:s3+s5], $0x20, $0x38;
	[tilespmem:$0x1130] =	vst v63  }
0x10: {  	_ =	swait.ge [sflag:s11], $0x20  }
0x11: {  	[sflag:s11] =	ssyncset.done $0x0  }
0x12: {  	[sflag:s11] =	ssyncadd.s32 $0xFFFFFFE0  }
0x13: {  	v0 =	vld [tilespmem:$0x1100];
	_ =	sdelay $0x4  }
0x14: {  	v3 =	vbroadcast v0, $0x4;
	_ =	sdelay $0x1  }
0x15: {  	[tilespmem:$0x1FF10] =	vst v3;
	v3 =	vbroadcast v0, $0x7;
	_ =	sdelay $0x1  }
0x16: {  	[tilespmem:$0x1FF20] =	vst v3;
	v3 =	vbroadcast v0, $0x2;
	_ =	sdelay $0x1  }
0x17: {  	[tilespmem:$0x1FF30] =	vst v3;
	v3 =	vbroadcast v0, $0x5  }
0x18: {  	v1 =	vbroadcast v0, $0x0  }
0x19: {  	[tilespmem:$0x1FF40] =	vst v3;
	v3 =	vbroadcast v0, $0x8  }
0x1a: {  	[tilespmem:$0x1FED0] =	vst v1;
	v1 =	vbroadcast v0, $0x3  }
0x1b: {  	[tilespmem:$0x1FF50] =	vst v3;
	v3 =	vbroadcast v0, $0x9  }
0x1c: {  	[tilespmem:$0x1FEE0] =	vst v1;
	v1 =	vbroadcast v0, $0x6  }
0x1d: {  	[tilespmem:$0x1FF60] =	vst v3;
	v3 =	vbroadcast v0, $0xC  }
0x1e: {  	[tilespmem:$0x1FEF0] =	vst v1;
	v1 =	vbroadcast v0, $0x1  }
0x1f: {  	[tilespmem:$0x1FF70] =	vst v3;
	v3 =	vbroadcast v0, $0xF  }
0x20: {  	[tilespmem:$0x1FF00] =	vst v1;
	v1 =	vld [tilespmem:$0x1110]  }
0x21: {  	[tilespmem:$0x1FF80] =	vst v3;
	v3 =	vbroadcast v0, $0xA;
	_ =	sdelay $0x1  }
0x22: {  	[tilespmem:$0x1FF90] =	vst v3;
	v3 =	vbroadcast v0, $0xD;
	_ =	sdelay $0x1  }
0x23: {  	[tilespmem:$0x1FFA0] =	vst v3;
	v3 =	vbroadcast v1, $0x0;
	_ =	sdelay $0x1  }
0x24: {  	[tilespmem:$0x1FFB0] =	vst v3;
	v3 =	vbroadcast v0, $0xB;
	v0 =	vbroadcast v0, $0xE;
	_ =	sdelay $0x1  }
0x25: {  	[tilespmem:$0x1FFD0] =	vst v0;
	v0 =	vbroadcast v1, $0x1  }
0x26: {  	[tilespmem:$0x1FFC0] =	vst v3  }
0x27: {  	s18 =	simm.s32 $0x0;
	[tilespmem:$0x1FFE0] =	vst v0;
	v0 =	vimm.f32 $0.0e+00  }
.LBB2_2:
0x28: {  	s19 =	sshll.u32 s18, $0x7  }
0x29: {  	s19 =	sadd.s32 s7, s19  }
0x2a: {  	s20 =	sshrl.u32 s19, $0x3  }
0x2b: {  	[tilespmem:$0x1FEB0] =	vst v0;
	s21 =	simm.s32 $0x0;
	s22 =	sadd.s32 s1, s20  }
0x2c: {  	[tilespmem:s21], [sflag:$0x2] =	stream.linear.gather [hbm4b:s22+s21], $0x80, $0x38;
	[tilespmem:$0x1130] =	vst v63  }
0x2d: {  	_ =	swait.ge [sflag:s11], $0x80  }
0x2e: {  	[sflag:s11] =	ssyncset.done $0x0  }
0x2f: {  	s20 =	sadd.s32 s2, s20;
	[sflag:s11] =	ssyncadd.s32 $0xFFFFFF80  }
0x30: {  	[tilespmem:s12], [sflag:$0x2] =	stream.linear.gather [hbm4b:s20+s21], $0x80, $0x38;
	[tilespmem:$0x1130] =	vst v63  }
0x31: {  	_ =	swait.ge [sflag:s11], $0x80  }
0x32: {  	[sflag:s11] =	ssyncset.done $0x0  }
0x33: {  	[sflag:s11] =	ssyncadd.s32 $0xFFFFFF80  }
0x34: {  	[tilespmem:s13], [sflag:$0x1] =	stream.indirect.gather [hbm4b:s6+s12], $0x10, s21, s12, $0xb8;
	[tilespmem:$0x1130] =	vst v63  }
0x35: {  	_ = 	snop  }
0x36: {  	v0 =	vmov s21;
	[tilespmem:s14], [sflag:$0x1] =	stream.indirect.gather [hbm4b:s6+s12], $0x10, s12, s12, $0xb8;
	[tilespmem:$0x1130] =	vst v63  }
0x37: {  	v0 =	vshll.u32 v0, $0x4;
	_ =	swait.ge [sflag:s15], $0x800  }
0x38: {  	v7 =	vor.u32 v2, v0;
	[sflag:s15] =	ssyncset.done $0x0  }
0x39: {  	[sflag:s15] =	ssyncadd.s32 $0xFFFFF800  }
0x3a: {  	v0 =	vor.u32 $0x2, v7;
	_ =	swait.ge [sflag:s15], $0x800  }
0x3b: {  	v1 =	vor.u32 $0x1, v7;
	[sflag:s15] =	ssyncset.done $0x0  }
0x3c: {  	[sflag:s15] =	ssyncadd.s32 $0xFFFFF800  }
0x3d: {  	v2 =	vld.idx.msk [tilespmem:v7+s13+$0x0], $0xffff  }
0x3e: {  	v3 =	vld.idx.msk [tilespmem:v7+s14+$0x0], $0xffff  }
0x3f: {  	v4 =	vld.idx.msk [tilespmem:v0+s13+$0x0], $0xffff  }
0x40: {  	v5 =	vld.idx.msk [tilespmem:v1+s13+$0x0], $0xffff  }
0x41: {  	v1 =	vld.idx.msk [tilespmem:v1+s14+$0x0], $0xffff  }
0x42: {  	v0 =	vld.idx.msk [tilespmem:v0+s14+$0x0], $0xffff;
	_ =	sdelay $0x2  }
0x43: {  	v2 =	vsub.f32 v3, v2  }
0x44: {  	v49 =	vld [tilespmem:$0x1FF30];
	v1 =	vsub.f32 v1, v5  }
0x45: {  	v50 =	vld [tilespmem:$0x1FF00];
	v0 =	vsub.f32 v0, v4;
	v3 =	vshrl.u32 v2, $0x10  }
0x46: {  	v51 =	vld [tilespmem:$0x1FF40];
	v47 =	vshrl.u32 v1, $0x10;
	v3 =	vand.u32 $0x1, v3  }
0x47: {  	v6 =	vld [tilespmem:$0x1FEE0];
	v48 =	vshrl.u32 v0, $0x10;
	v2 =	vadd.s32 v3, v2;
	v3 =	vand.u32 $0x1, v47  }
0x48: {  	v8 =	vld [tilespmem:$0x1FF10];
	v1 =	vadd.s32 v3, v1;
	v3 =	vand.u32 $0x1, v48  }
0x49: {  	v0 =	vadd.s32 v3, v0;
	v3 =	vld [tilespmem:$0x1FED0]  }
0x4a: {  	v2 =	vadd.s32 $0x7FFF, v2;
	v1 =	vadd.s32 $0x7FFF, v1  }
0x4b: {  	v2 =	vand.u32 $0xFFFF0000, v2;
	v1 =	vand.u32 $0xFFFF0000, v1  }
0x4c: {  	v4 =	vmul.f32 v2, v49;
	v5 =	vmul.f32 v1, v51  }
0x4d: {  	v6 =	vmul.f32 v1, v6;
	v1 =	vmul.f32 v1, v8  }
0x4e: {  	v52 =	vld [tilespmem:$0x1FF50];
	v3 =	vmul.f32 v2, v3;
	v2 =	vmul.f32 v2, v50  }
0x4f: {  	v8 =	vld [tilespmem:$0x1FEF0]  }
0x50: {  	v1 =	vadd.f32 v1, v2;
	v2 =	vld [tilespmem:$0x1FF20];
	_ =	sdelay $0x1  }
0x51: {  	v0 =	vadd.s32 $0x7FFF, v0  }
0x52: {  	v0 =	vand.u32 $0xFFFF0000, v0;
	v4 =	vadd.f32 v5, v4  }
0x53: {  	v5 =	vmul.f32 v0, v52;
	v8 =	vmul.f32 v0, v8;
	v3 =	vadd.f32 v6, v3  }
0x54: {  	v0 =	vmul.f32 v0, v2  }
0x55: {  	v3 =	vadd.f32 v8, v3;
	v2 =	vadd.f32 v5, v4  }
0x56: {  	v0 =	vadd.f32 v0, v1  }
0x57: {  	v53 =	vadd.f32 $1.258291200e+07, v3;
	v1 =	vadd.f32 $1.258291200e+07, v2  }
0x58: {  	v54 =	vadd.f32 $1.258291200e+07, v0  }
0x59: {  	v4 =	vadd.f32 $-1.258291200e+07, v53;
	v1 =	vadd.f32 $-1.258291200e+07, v1  }
0x5a: {  	v58 =	vld [tilespmem:$0x1FF60];
	v5 =	vadd.f32 $-1.258291200e+07, v54  }
0x5b: {  	v9 =	vld [tilespmem:$0x1FF70];
	v1 =	vsub.f32 v2, v1;
	v2 =	vsub.f32 v3, v4  }
0x5c: {  	v17 =	vor.u32 $0xB, v7;
	v10 =	vld [tilespmem:$0x1FF90];
	v0 =	vsub.f32 v0, v5  }
0x5d: {  	v12 =	vor.u32 $0x9, v7;
	v11 =	vld [tilespmem:$0x1FFA0];
	v56 =	vshrl.u32 v2, $0x10  }
0x5e: {  	v13 =	vld [tilespmem:$0x1FFC0];
	v5 =	vand.u32 $0x1, v56;
	v8 =	vshrl.u32 v0, $0x10  }
0x5f: {  	v33 =	vor.u32 $0x4, v7;
	v59 =	vld [tilespmem:$0x1FFD0];
	v2 =	vadd.s32 v5, v2;
	v8 =	vand.u32 $0x1, v8  }
0x60: {  	v57 =	vld [tilespmem:$0x1FF80];
	v2 =	vadd.s32 $0x7FFF, v2;
	v0 =	vadd.s32 v8, v0  }
0x61: {  	v23 =	vld.idx.msk [tilespmem:v17+s13+$0x0], $0xffff;
	v3 =	vor.u32 $0xA, v7;
	v2 =	vand.u32 $0xFFFF0000, v2;
	v0 =	vadd.s32 $0x7FFF, v0  }
0x62: {  	v27 =	vld.idx.msk [tilespmem:v12+s14+$0x0], $0xffff;
	v5 =	vmul.f32 v2, v58;
	v10 =	vmul.f32 v2, v10;
	v0 =	vand.u32 $0xFFFF0000, v0  }
0x63: {  	v28 =	vld.idx.msk [tilespmem:v12+s13+$0x0], $0xffff;
	v9 =	vmul.f32 v0, v9;
	v11 =	vmul.f32 v0, v11  }
0x64: {  	v44 =	vld.idx.msk [tilespmem:v33+s14+$0x0], $0xffff;
	v8 =	vor.u32 $0x8, v7;
	v2 =	vmul.f32 v2, v13;
	v0 =	vmul.f32 v0, v59  }
0x65: {  	v55 =	vshrl.u32 v1, $0x10;
	v5 =	vadd.f32 v9, v5;
	v9 =	vadd.f32 v11, v10;
	v10 =	vld [tilespmem:$0x1FFB0]  }
0x66: {  	v4 =	vand.u32 $0x1, v55;
	v0 =	vadd.f32 v0, v2;
	v2 =	vld [tilespmem:$0x1FFE0]  }
0x67: {  	v6 =	vor.u32 $0xC, v7;
	v1 =	vadd.s32 v4, v1;
	v21 =	vld.idx.msk [tilespmem:v3+s13+$0x0], $0xffff  }
0x68: {  	v15 =	vmul.f32 v27, v23;
	v1 =	vadd.s32 $0x7FFF, v1;
	v22 =	vld.idx.msk [tilespmem:v3+s14+$0x0], $0xffff;
	v11 =	vor.u32 $0x7, v7  }
0x69: {  	v32 =	vmul.f32 v27, v28;
	v62 =	vmul.f32 v44, v28;
	v1 =	vand.u32 $0xFFFF0000, v1;
	v31 =	vld.idx.msk [tilespmem:v8+s14+$0x0], $0xffff  }
0x6a: {  	v63 =	vmul.f32 v44, v23;
	v4 =	vmul.f32 v1, v57;
	v29 =	vld.idx.msk [tilespmem:v8+s13+$0x0], $0xffff  }
0x6b: {  	v10 =	vmul.f32 v1, v10;
	v1 =	vmul.f32 v1, v2  }
0x6c: {  	v26 =	vld.idx.msk [tilespmem:v6+s13+$0x0], $0xffff;
	v18 =	vmul.f32 v27, v21;
	v55 =	vmul.f32 v44, v21;
	v5 =	vadd.f32 v5, v4  }
0x6d: {  	v4 =	vadd.f32 v9, v10;
	v2 =	vadd.f32 v0, v1;
	v1 =	vld.idx.msk [tilespmem:v11+s14+$0x0], $0xffff;
	v9 =	vor.u32 $0x5, v7  }
0x6e: {  	v3 =	vmul.f32 v5, v5;
	v60 =	vmul.f32 v31, v21;
	v0 =	vld.idx.msk [tilespmem:v11+s13+$0x0], $0xffff  }
0x6f: {  	v14 =	vmul.f32 v22, v29;
	v25 =	vmul.f32 v4, v4  }
0x70: {  	v16 =	vmul.f32 v31, v23;
	v38 =	vmul.f32 v31, v29;
	v11 =	vor.u32 $0x6, v7  }
0x71: {  	v7 =	vor.u32 $0x3, v7;
	v24 =	vmul.f32 v2, v2;
	v8 =	vadd.f32 v25, v3  }
0x72: {  	v40 =	vmul.f32 v31, v28;
	v20 =	vmul.f32 v1, v26;
	v35 =	vld.idx.msk [tilespmem:v9+s14+$0x0], $0xffff  }
0x73: {  	v36 =	vmul.f32 v1, v28;
	v37 =	vmul.f32 v27, v0;
	v12 =	vld.idx.msk [tilespmem:v9+s13+$0x0], $0xffff;
	v61 =	vadd.f32 v8, v24  }
0x74: {  	v9 =	vmul.f32 v1, v21;
	v39 =	vmul.f32 v1, v23  }
0x75: {  	v41 =	vmul.f32 v1, v29;
	v10 =	vshrl.u32 v61, $0x1;
	v19 =	vmul.f32 $5.000000000e-01, v61  }
0x76: {  	v42 =	vmul.f32 v31, v0;
	v58 =	vmul.f32 v44, v0;
	[tilespmem:$0x1FEC0] =	vst v61;
	v61 =	vld.idx.msk [tilespmem:v7+s13+$0x0], $0xffff;
	v30 =	vsub.s32 $0x5F3759DF, v10  }
0x77: {  	v8 =	vmul.f32 v31, v26;
	v10 =	vld.idx.msk [tilespmem:v11+s14+$0x0], $0xffff;
	v34 =	vmul.f32 v30, v19  }
0x78: {  	v11 =	vld.idx.msk [tilespmem:v11+s13+$0x0], $0xffff;
	v43 =	vmul.f32 v35, v21;
	v45 =	vmul.f32 v22, v12  }
0x79: {  	v46 =	vmul.f32 v35, v26;
	v34 =	vmul.f32 v30, v34  }
0x7a: {  	v41 =	vadd.f32 v42, v41;
	v48 =	vmul.f32 v35, v23;
	v53 =	vmul.f32 v31, v12  }
0x7b: {  	v56 =	vmul.f32 v35, v29;
	v42 =	vmul.f32 v22, v61;
	v34 =	vsub.f32 $1.500000000e+00, v34  }
0x7c: {  	v47 =	vmul.f32 v10, v23;
	v50 =	vmul.f32 v10, v21  }
0x7d: {  	v51 =	vmul.f32 v27, v11;
	v30 =	vmul.f32 v30, v34;
	v34 =	vld.idx.msk [tilespmem:v33+s13+$0x0], $0xffff  }
0x7e: {  	v52 =	vmul.f32 v10, v28;
	v54 =	vmul.f32 v1, v11  }
0x7f: {  	v13 =	vadd.f32 v37, v36;
	v33 =	vmul.f32 v44, v26;
	v49 =	vmul.f32 v30, v19  }
0x80: {  	v57 =	vmul.f32 v10, v29;
	v36 =	vadd.f32 v47, v46;
	v46 =	vadd.f32 v56, v55  }
0x81: {  	v37 =	vadd.f32 v50, v48;
	v33 =	vadd.f32 v52, v33;
	v49 =	vmul.f32 v49, v30  }
0x82: {  	v50 =	vmul.f32 v35, v11;
	v46 =	vsub.f32 v46, v53;
	v59 =	vmul.f32 v1, v34  }
0x83: {  	v51 =	vsub.f32 v33, v51;
	v52 =	vmul.f32 v10, v34;
	v49 =	vsub.f32 $1.500000000e+00, v49  }
0x84: {  	v56 =	vmul.f32 v44, v34;
	v48 =	vsub.f32 v58, v59;
	v59 =	vmul.f32 v44, v12  }
0x85: {  	v49 =	vmul.f32 v49, v30;
	v30 =	vadd.f32 v14, v60;
	v14 =	vadd.f32 v15, v8  }
0x86: {  	v60 =	vld.idx.msk [tilespmem:v7+s14+$0x0], $0xffff;
	v8 =	vadd.f32 v32, v20;
	v32 =	vmul.f32 v10, v0;
	v7 =	vadd.f32 v18, v16  }
0x87: {  	v15 =	vmul.f32 v35, v28;
	v18 =	vadd.f32 v38, v9;
	v9 =	vmul.f32 v44, v29  }
0x88: {  	v38 =	vmul.f32 v35, v0;
	v16 =	vadd.f32 v40, v39;
	v40 =	vmul.f32 v10, v11  }
0x89: {  	v20 =	vsub.f32 v43, v45;
	v45 =	vmul.f32 v35, v12;
	v19 =	vmul.f32 v49, v19  }
0x8a: {  	v32 =	vadd.f32 v32, v62;
	v38 =	vadd.f32 v38, v9;
	v9 =	vmul.f32 v44, v11  }
0x8b: {  	v15 =	vadd.f32 v15, v63;
	v44 =	vmul.f32 v44, v61;
	v19 =	vmul.f32 v19, v49  }
0x8c: {  	v54 =	vsub.f32 v32, v54;
	v39 =	vmul.f32 v60, v26;
	v43 =	vmul.f32 v60, v21  }
0x8d: {  	v15 =	vadd.f32 v57, v15;
	v47 =	vmul.f32 v60, v23;
	v62 =	vmul.f32 v60, v28  }
0x8e: {  	v63 =	vmul.f32 v60, v0;
	v58 =	vmul.f32 v60, v29;
	v19 =	vsub.f32 $1.500000000e+00, v19  }
0x8f: {  	v55 =	vmul.f32 v60, v12;
	v43 =	vsub.f32 v43, v45;
	v40 =	vsub.f32 v39, v40  }
0x90: {  	v9 =	vsub.f32 v62, v9;
	v47 =	vsub.f32 v47, v50;
	v19 =	vmul.f32 v19, v49  }
0x91: {  	v50 =	vmul.f32 v10, v61;
	v45 =	vsub.f32 v63, v56;
	v62 =	vmul.f32 v60, v34  }
0x92: {  	v63 =	vmul.f32 v60, v11;
	v32 =	vsub.f32 $0.0e+00, v55;
	v49 =	vmul.f32 v19, v19  }
0x93: {  	v55 =	vmul.f32 v27, v34;
	v33 =	vsub.f32 $0.0e+00, v62;
	v62 =	vmul.f32 v60, v61  }
0x94: {  	v53 =	vsub.f32 $0.0e+00, v63;
	v63 =	vmul.f32 v35, v61;
	v56 =	vmul.f32 v49, v19  }
0x95: {  	v60 =	vmul.f32 v1, v61;
	v33 =	vadd.f32 v44, v33;
	v44 =	vmul.f32 v1, v12  }
0x96: {  	v1 =	vmul.f32 v1, v0;
	v19 =	vmul.f32 v19, v62;
	v57 =	vsub.f32 $0.0e+00, v56  }
0x97: {  	v39 =	vsub.f32 v58, v59;
	v62 =	vmul.f32 v35, v34;
	v35 =	vmul.f32 v4, v5  }
0x98: {  	v42 =	vadd.f32 v42, v43;
	v43 =	vmul.f32 v56, v49;
	v58 =	vmul.f32 v57, v5  }
0x99: {  	v6 =	vld.idx.msk [tilespmem:v6+s14+$0x0], $0xffff;
	v32 =	vadd.f32 v63, v32;
	v59 =	vmul.f32 v57, v4;
	v63 =	vmul.f32 v57, v2  }
0x9a: {  	v50 =	vadd.f32 v50, v53;
	v33 =	vmul.f32 v58, v33;
	v58 =	vmul.f32 $3.000000000e+00, v43  }
0x9b: {  	v52 =	vsub.f32 v9, v52;
	v32 =	vmul.f32 v59, v32;
	v59 =	vmul.f32 v31, v61  }
0x9c: {  	v45 =	vadd.f32 v60, v45;
	v60 =	vmul.f32 v63, v50;
	v57 =	vmul.f32 v58, v3  }
0x9d: {  	v63 =	vmul.f32 v27, v61;
	v19 =	vadd.f32 v33, v19;
	v33 =	vsub.f32 v39, v62  }
0x9e: {  	v50 =	vmul.f32 v6, v61;
	v43 =	vmul.f32 v43, v49;
	v62 =	vsub.f32 v57, v56  }
0x9f: {  	v32 =	vadd.f32 v19, v32;
	v39 =	vadd.f32 v59, v33;
	v59 =	vmul.f32 v58, v35  }
0xa0: {  	v44 =	vsub.f32 v38, v44;
	v33 =	vmul.f32 v2, v5;
	v57 =	vmul.f32 v62, v45  }
0xa1: {  	v19 =	vld.idx.msk [tilespmem:v17+s14+$0x0], $0xffff;
	v17 =	vadd.f32 v32, v60;
	v60 =	vmul.f32 v10, v12;
	v62 =	vmul.f32 v59, v39  }
0xa2: {  	v52 =	vadd.f32 v63, v52;
	v63 =	vmul.f32 v58, v33;
	v59 =	vmul.f32 v58, v25  }
0xa3: {  	v40 =	vadd.f32 v50, v40;
	v32 =	vmul.f32 v2, v4;
	v39 =	vmul.f32 $1.500000000e+01, v43  }
0xa4: {  	v43 =	vmul.f32 v43, v49;
	v10 =	vmul.f32 v10, v26;
	v17 =	vadd.f32 v17, v57  }
0xa5: {  	v52 =	vmul.f32 v63, v52;
	v53 =	vsub.f32 v59, v56;
	v59 =	vmul.f32 v31, v11  }
0xa6: {  	v47 =	vsub.f32 v47, v60;
	v31 =	vmul.f32 v31, v34;
	v57 =	vmul.f32 v19, v61  }
0xa7: {  	v61 =	vmul.f32 v58, v24;
	v50 =	vmul.f32 v19, v11;
	v17 =	vadd.f32 v17, v62  }
0xa8: {  	v42 =	vmul.f32 v53, v42;
	v62 =	vmul.f32 v58, v32;
	v31 =	vsub.f32 v44, v31  }
0xa9: {  	v53 =	vmul.f32 v39, v3;
	v45 =	vadd.f32 v57, v47;
	v60 =	vadd.f32 v17, v52  }
0xaa: {  	v15 =	vsub.f32 v15, v59;
	v17 =	vmul.f32 $3.000000000e+00, v58;
	v52 =	vsub.f32 v61, v56  }
0xab: {  	v57 =	vmul.f32 v22, v34;
	v45 =	vmul.f32 v62, v45;
	v63 =	vadd.f32 v60, v42  }
0xac: {  	v56 =	vsub.f32 v17, v53;
	v40 =	vmul.f32 v52, v40;
	v42 =	vsub.f32 v54, v55  }
0xad: {  	v60 =	vsub.f32 v58, v53;
	v55 =	vmul.f32 v19, v34;
	v34 =	vmul.f32 v6, v34  }
0xae: {  	v62 =	vsub.f32 $0.0e+00, v39;
	v52 =	vmul.f32 $6.000000000e+00, v53;
	v47 =	vmul.f32 v56, v5  }
0xaf: {  	v38 =	vadd.f32 v63, v45;
	v61 =	vmul.f32 v60, v4;
	v63 =	vmul.f32 v27, v12  }
0xb0: {  	v36 =	vsub.f32 v36, v50;
	v54 =	vmul.f32 v60, v2;
	v45 =	vmul.f32 v62, v35  }
0xb1: {  	v40 =	vadd.f32 v38, v40;
	v47 =	vmul.f32 v47, v48;
	v38 =	vmul.f32 v39, v25  }
0xb2: {  	v46 =	vsub.f32 v46, v57;
	v31 =	vmul.f32 v61, v31;
	v42 =	vmul.f32 v54, v42  }
0xb3: {  	v34 =	vsub.f32 v51, v34;
	v45 =	vmul.f32 v45, v2;
	v61 =	vmul.f32 v22, v11  }
0xb4: {  	v15 =	vsub.f32 v15, v63;
	v63 =	vmul.f32 v19, v12;
	v12 =	vmul.f32 v6, v12  }
0xb5: {  	v48 =	vmul.f32 $1.050000000e+02, v43;
	v40 =	vadd.f32 v40, v47;
	v44 =	vsub.f32 v58, v38  }
0xb6: {  	v11 =	vmul.f32 v6, v11;
	v54 =	vmul.f32 v19, v28;
	v15 =	vsub.f32 v15, v55  }
0xb7: {  	v40 =	vadd.f32 v40, v31;
	v56 =	vmul.f32 v44, v5;
	v31 =	vmul.f32 v39, v24  }
0xb8: {  	v43 =	vmul.f32 v19, v21;
	v60 =	vsub.f32 v17, v38;
	v37 =	vsub.f32 v37, v61  }
0xb9: {  	v40 =	vadd.f32 v40, v42;
	v57 =	vmul.f32 v56, v46;
	v59 =	vsub.f32 v58, v31  }
0xba: {  	v50 =	vmul.f32 v48, v3;
	v10 =	vsub.f32 v10, v11;
	v11 =	vmul.f32 $3.000000000e+00, v39  }
0xbb: {  	v15 =	vmul.f32 v45, v15;
	v40 =	vadd.f32 v40, v57;
	v5 =	vmul.f32 v59, v5  }
0xbc: {  	v12 =	vsub.f32 v36, v12;
	v36 =	vmul.f32 v6, v28;
	v62 =	vmul.f32 v60, v4  }
0xbd: {  	v47 =	vsub.f32 v37, v63;
	v15 =	vadd.f32 v40, v15;
	v5 =	vmul.f32 v5, v34  }
0xbe: {  	v49 =	vmul.f32 v44, v2;
	v3 =	vmul.f32 v50, v3;
	v55 =	vsub.f32 v50, v11  }
0xbf: {  	v61 =	vmul.f32 v50, v24;
	v20 =	vmul.f32 v62, v20;
	v5 =	vadd.f32 v15, v5  }
0xc0: {  	v63 =	vsub.f32 v50, v39;
	v44 =	vmul.f32 v22, v26;
	v51 =	vsub.f32 v17, v31  }
0xc1: {  	v4 =	vmul.f32 v59, v4;
	v15 =	vmul.f32 v49, v47;
	v5 =	vadd.f32 v5, v20  }
0xc2: {  	v45 =	vmul.f32 v19, v23;
	v3 =	vsub.f32 v3, v52;
	v56 =	vmul.f32 v27, v29  }
0xc3: {  	v2 =	vmul.f32 v51, v2;
	v4 =	vmul.f32 v4, v12;
	v5 =	vadd.f32 v5, v15  }
0xc4: {  	v62 =	vadd.f32 v31, v53;
	v3 =	vadd.f32 v3, v17;
	v57 =	vmul.f32 v50, v25  }
0xc5: {  	v59 =	vadd.f32 v38, v53;
	v2 =	vmul.f32 v2, v10;
	v4 =	vadd.f32 v5, v4  }
0xc6: {  	v60 =	vadd.f32 v56, v16;
	v16 =	vmul.f32 v19, v29;
	v10 =	vmul.f32 v22, v0  }
0xc7: {  	v1 =	vmul.f32 v3, v1;
	v3 =	vmul.f32 v55, v35;
	v2 =	vadd.f32 v4, v2  }
0xc8: {  	v50 =	vmul.f32 v6, v23;
	v10 =	vadd.f32 v10, v18;
	v4 =	vsub.f32 v57, v59  }
0xc9: {  	v1 =	vadd.f32 v2, v1;
	v2 =	vmul.f32 v3, v41;
	v3 =	vmul.f32 v55, v33  }
0xca: {  	v49 =	vmul.f32 v19, v26;
	v20 =	vmul.f32 v48, v24;
	v15 =	vsub.f32 v61, v62  }
0xcb: {  	v4 =	vadd.f32 v4, v58;
	v1 =	vadd.f32 v1, v2;
	v3 =	vmul.f32 v3, v13  }
0xcc: {  	v34 =	vsub.f32 v20, v39;
	v2 =	vmul.f32 v19, v0;
	v0 =	vmul.f32 v6, v0  }
0xcd: {  	v5 =	vmul.f32 v63, v32;
	v1 =	vadd.f32 v1, v3;
	v3 =	vmul.f32 v4, v10  }
0xce: {  	v2 =	vadd.f32 v2, v60;
	v10 =	vmul.f32 v48, v25;
	v0 =	vadd.f32 v0, v8  }
0xcf: {  	v8 =	vmul.f32 v6, v29;
	v4 =	vadd.f32 v15, v58;
	v1 =	vadd.f32 v1, v3  }
0xd0: {  	v3 =	vmul.f32 v22, v28;
	v2 =	vmul.f32 v5, v2;
	v9 =	vsub.f32 v10, v11  }
0xd1: {  	v40 =	vld [tilespmem:$0x1FFF0];
	v48 =	vmul.f32 v6, v21;
	v18 =	vsub.f32 v10, v39;
	v0 =	vmul.f32 v4, v0  }
0xd2: {  	v3 =	vadd.f32 v3, v7;
	v1 =	vadd.f32 v1, v2;
	v2 =	vmul.f32 v9, v35  }
0xd3: {  	s20 =	simm.s32 $0x10;
	v12 =	vadd.f32 v54, v14;
	v29 =	vmul.f32 v18, v33;
	v7 =	vmul.f32 v34, v35  }
0xd4: {  	v35 =	vmov s20;
	v3 =	vadd.f32 v16, v3;
	v0 =	vadd.f32 v1, v0  }
0xd5: {  	v1 =	vmul.f32 v2, v30;
	v2 =	vadd.f32 v8, v12;
	v12 =	vshll.u32 v35, $0x4  }
0xd6: {  	v37 =	vmul.f32 v10, v25;
	v39 =	vmul.f32 $6.000000000e+00, v38;
	v35 =	vor.u32 v40, v12  }
0xd7: {  	v3 =	vmul.f32 v29, v3;
	v0 =	vadd.f32 v0, v1;
	v41 =	vor.u32 $0xC, v35  }
0xd8: {  	v11 =	vsub.f32 v20, v11;
	v10 =	vmul.f32 v10, v24;
	v8 =	vmul.f32 v27, v26  }
0xd9: {  	v2 =	vmul.f32 v7, v2;
	v46 =	vor.u32 $0xA, v35;
	v0 =	vadd.f32 v0, v3  }
0xda: {  	v4 =	vmul.f32 v20, v24;
	v42 =	vmul.f32 v11, v33;
	v13 =	vsub.f32 v37, v39  }
0xdb: {  	v8 =	vadd.f32 v36, v8;
	v0 =	vadd.f32 v0, v2;
	v2 =	vor.u32 $0xB, v35  }
0xdc: {  	v47 =	vadd.f32 v31, v38;
	v9 =	vmul.f32 v9, v32;
	v3 =	vmul.f32 v22, v23;
	v54 =	vld.idx.msk [tilespmem:v41+s14+$0x0], $0xffff  }
0xdd: {  	v13 =	vadd.f32 v13, v17;
	v1 =	vmul.f32 v22, v21;
	v8 =	vmul.f32 v42, v8;
	v55 =	vld.idx.msk [tilespmem:v41+s13+$0x0], $0xffff  }
0xde: {  	v12 =	vadd.f32 v45, v44;
	v51 =	vor.u32 $0x8, v35;
	v3 =	vadd.f32 v43, v3;
	v36 =	vld.idx.msk [tilespmem:v46+s13+$0x0], $0xffff  }
0xdf: {  	v1 =	vmul.f32 v13, v1;
	v60 =	vld.idx.msk [tilespmem:v46+s14+$0x0], $0xffff;
	v0 =	vadd.f32 v0, v8;
	v8 =	vsub.f32 v10, v47  }
0xe0: {  	v5 =	vadd.f32 v48, v12;
	v10 =	vor.u32 $0x9, v35;
	v3 =	vmul.f32 v9, v3;
	v56 =	vld.idx.msk [tilespmem:v2+s14+$0x0], $0xffff  }
0xe1: {  	v1 =	vadd.f32 v0, v1;
	v9 =	vadd.f32 v8, v58;
	v58 =	vld.idx.msk [tilespmem:v2+s13+$0x0], $0xffff;
	v2 =	vmul.f32 $6.000000000e+00, v31  }
0xe2: {  	v7 =	vadd.f32 v50, v49;
	v8 =	vmul.f32 v11, v32;
	v0 =	vor.u32 $0x7, v35  }
0xe3: {  	v34 =	vld.idx.msk [tilespmem:v51+s14+$0x0], $0xffff;
	v3 =	vadd.f32 v1, v3;
	v5 =	vmul.f32 v9, v5;
	v2 =	vsub.f32 v4, v2  }
0xe4: {  	v52 =	vmul.f32 v6, v26;
	v11 =	vld.idx.msk [tilespmem:v51+s13+$0x0], $0xffff;
	v1 =	vor.u32 $0x2, v35;
	v7 =	vmul.f32 v8, v7  }
0xe5: {  	v61 =	vmul.f32 v54, v36;
	v33 =	vld.idx.msk [tilespmem:v10+s14+$0x0], $0xffff;
	v3 =	vadd.f32 v3, v5;
	v53 =	vadd.f32 v2, v17  }
0xe6: {  	s31 =	sor.u32 s19, s21;
	v62 =	vmul.f32 v60, v36;
	v63 =	vld.idx.msk [tilespmem:v10+s13+$0x0], $0xffff;
	v2 =	vor.u32 $0x1, v35;
	v57 =	vmul.f32 v56, v55  }
0xe7: {  	p1 =	slt.u32 s31, $0xC3500;
	s21 =	simm.s32 $0x20;
	v49 =	vld.idx.msk [tilespmem:v0+s13+$0x0], $0xffff;
	v59 =	vmul.f32 v54, v58;
	v40 =	vadd.f32 v3, v7;
	v39 =	vmul.f32 v53, v52  }
.LBB2_3:
0xe8: {  	v42 =	vld [tilespmem:$0x1FEC0];
	_ =	sdelay $0x1  }
0xe9: {  	v43 =	vld.idx.msk [tilespmem:v0+s14+$0x0], $0xffff  }
0xea: {  	v47 =	vld [tilespmem:$0x1FEB0];
	v0 =	vmul.f32 v33, v55  }
0xeb: {  	vm1 =	vmmov vm0  }
0xec: {  	vm1 =	vmneg @p1 vm1;
	vm2 =	vle.f32 v42, $1.000000000e+04;
	[tilespmem:$0x1FDE0] =	vst v0;
	v0 =	vadd.f32 v40, v39  }
0xed: {  	v5 =	vmul.f32 v56, v63;
	vm1 =	vmand vm1, vm2  }
0xee: {  	v13 =	vld.idx.msk [tilespmem:v2+s13+$0x0], $0xffff;
	v0 =	vnsel vm1, $0x0, v0  }
0xef: {  	[tilespmem:$0x1FD00] =	vst v5;
	v5 =	vadd.f32 v0, v47;
	v0 =	vld.idx.msk [tilespmem:v2+s14+$0x0], $0xffff;
	v2 =	vmul.f32 v54, v49;
	_ =	sdelay $0x1  }
0xf0: {  	[tilespmem:$0x1FD90] =	vst v2;
	v2 =	vmul.f32 v34, v58;
	_ =	sdelay $0x1  }
0xf1: {  	v3 =	vld.idx.msk [tilespmem:v35+s13+$0x0], $0xffff;
	[tilespmem:$0x1FB10] =	vst v2;
	v2 =	vmul.f32 v33, v36  }
0xf2: {  	v44 =	vld.idx.msk [tilespmem:v35+s14+$0x0], $0xffff  }
0xf3: {  	v12 =	vld.idx.msk [tilespmem:v1+s13+$0x0], $0xffff;
	[tilespmem:$0x1FB20] =	vst v2;
	v2 =	vor.u32 $0x6, v35  }
0xf4: {  	v1 =	vld.idx.msk [tilespmem:v1+s14+$0x0], $0xffff  }
0xf5: {  	v28 =	vld [tilespmem:$0x1FF30]  }
0xf6: {  	v29 =	vld [tilespmem:$0x1FF00]  }
0xf7: {  	v39 =	vld [tilespmem:$0x1FEE0]  }
0xf8: {  	v3 =	vsub.f32 v44, v3;
	v0 =	vsub.f32 v0, v13;
	v26 =	vld.idx.msk [tilespmem:v2+s14+$0x0], $0xffff  }
0xf9: {  	v4 =	vmul.f32 v60, v58;
	v41 =	vmul.f32 v56, v36;
	v19 =	vor.u32 $0x5, v35;
	v24 =	vld.idx.msk [tilespmem:v2+s13+$0x0], $0xffff  }
0xfa: {  	[tilespmem:$0x1FE80] =	vst v57;
	v1 =	vsub.f32 v1, v12;
	v15 =	vshrl.u32 v3, $0x10;
	v17 =	vshrl.u32 v0, $0x10;
	v2 =	vld [tilespmem:$0x1FED0]  }
0xfb: {  	v30 =	vld [tilespmem:$0x1FF40];
	[tilespmem:$0x1FE20] =	vst v4;
	v57 =	vmul.f32 v43, v63;
	v4 =	vand.u32 $0x1, v15;
	v21 =	vand.u32 $0x1, v17  }
0xfc: {  	[tilespmem:$0x1FE30] =	vst v41;
	v41 =	vld [tilespmem:$0x1FEF0];
	v22 =	vshrl.u32 v1, $0x10;
	v3 =	vadd.s32 v4, v3;
	v0 =	vadd.s32 v21, v0  }
0xfd: {  	v40 =	vld [tilespmem:$0x1FF10];
	v23 =	vand.u32 $0x1, v22;
	v3 =	vadd.s32 $0x7FFF, v3;
	v0 =	vadd.s32 $0x7FFF, v0  }
0xfe: {  	[tilespmem:$0x1FB30] =	vst v57;
	v57 =	vld.idx.msk [tilespmem:v19+s13+$0x0], $0xffff;
	v1 =	vadd.s32 v23, v1;
	v3 =	vand.u32 $0xFFFF0000, v3;
	v0 =	vand.u32 $0xFFFF0000, v0  }
0xff: {  	v1 =	vadd.s32 $0x7FFF, v1;
	v22 =	vmul.f32 v0, v39;
	v2 =	vmul.f32 v3, v2  }
0x100: {  	v48 =	vmul.f32 v56, v49;
	v1 =	vand.u32 $0xFFFF0000, v1  }
0x101: {  	v4 =	vmul.f32 v3, v28;
	v42 =	vmul.f32 v1, v41;
	v2 =	vadd.f32 v22, v2  }
0x102: {  	v38 =	vmul.f32 v0, v30;
	v0 =	vmul.f32 v0, v40  }
0x103: {  	[tilespmem:$0x1FD80] =	vst v48;
	v3 =	vmul.f32 v3, v29;
	v48 =	vadd.f32 v42, v2;
	v2 =	vmul.f32 v56, v57  }
0x104: {  	v44 =	vld [tilespmem:$0x1FF50]  }
0x105: {  	v0 =	vadd.f32 v0, v3;
	v3 =	vld [tilespmem:$0x1FF20];
	[tilespmem:$0x1FCC0] =	vst v2;
	v2 =	vmul.f32 v54, v57  }
0x106: {  	[tilespmem:$0x1FE50] =	vst v62;
	v12 =	vld.idx.msk [tilespmem:v19+s14+$0x0], $0xffff  }
0x107: {  	v20 =	vor.u32 $0x4, v35;
	v62 =	vmul.f32 v43, v36;
	[tilespmem:$0x1FCD0] =	vst v2;
	v2 =	vadd.f32 $1.258291200e+07, v48  }
0x108: {  	[tilespmem:$0x1FE60] =	vst v61;
	v45 =	vmul.f32 v54, v11  }
0x109: {  	v61 =	vmul.f32 v33, v49;
	[tilespmem:$0x1FB50] =	vst v62;
	v62 =	vadd.f32 $-1.258291200e+07, v2;
	v2 =	vmul.f32 v60, v24  }
0x10a: {  	[tilespmem:$0x1FDC0] =	vst v45;
	v45 =	vmul.f32 v1, v44;
	v1 =	vmul.f32 v1, v3  }
0x10b: {  	v4 =	vadd.f32 v38, v4;
	[tilespmem:$0x1FCA0] =	vst v2;
	v2 =	vmul.f32 v12, v55  }
0x10c: {  	[tilespmem:$0x1FB40] =	vst v61;
	v61 =	vld.idx.msk [tilespmem:v20+s13+$0x0], $0xffff;
	v0 =	vadd.f32 v1, v0;
	v1 =	vmul.f32 v54, v24  }
0x10d: {  	v3 =	vadd.f32 v45, v4;
	[tilespmem:$0x1FBD0] =	vst v2;
	v2 =	vmul.f32 v26, v58  }
0x10e: {  	v50 =	vmul.f32 v43, v55;
	[tilespmem:$0x1FCF0] =	vst v1  }
0x10f: {  	v1 =	vadd.f32 $1.258291200e+07, v3;
	[tilespmem:$0x1FBE0] =	vst v2;
	v2 =	vmul.f32 v12, v58  }
0x110: {  	[tilespmem:$0x1FAF0] =	vst v50  }
0x111: {  	v1 =	vadd.f32 $-1.258291200e+07, v1;
	[tilespmem:$0x1FBF0] =	vst v2;
	v2 =	vmul.f32 v56, v61  }
0x112: {  	[tilespmem:$0x1FEB0] =	vst v5;
	v13 =	vmul.f32 v34, v11;
	v50 =	vadd.f32 $1.258291200e+07, v0  }
0x113: {  	v1 =	vsub.f32 v3, v1;
	[tilespmem:$0x1FC80] =	vst v2;
	v2 =	vmul.f32 v26, v36  }
0x114: {  	[tilespmem:$0x1FB60] =	vst v13;
	v13 =	vadd.f32 $-1.258291200e+07, v50  }
0x115: {  	v5 =	vshrl.u32 v1, $0x10;
	[tilespmem:$0x1FC00] =	vst v2;
	v2 =	vld [tilespmem:$0x1FF80]  }
0x116: {  	v0 =	vsub.f32 v0, v13;
	v13 =	vand.u32 $0x1, v5  }
0x117: {  	v1 =	vadd.s32 v13, v1  }
0x118: {  	v3 =	vsub.f32 v48, v62;
	v1 =	vadd.s32 $0x7FFF, v1  }
0x119: {  	v1 =	vand.u32 $0xFFFF0000, v1  }
0x11a: {  	v19 =	vshrl.u32 v3, $0x10;
	v7 =	vmul.f32 v1, v2;
	v2 =	vld [tilespmem:$0x1FF60]  }
0x11b: {  	v19 =	vand.u32 $0x1, v19  }
0x11c: {  	v3 =	vadd.s32 v19, v3  }
0x11d: {  	v3 =	vadd.s32 $0x7FFF, v3  }
0x11e: {  	v3 =	vand.u32 $0xFFFF0000, v3  }
0x11f: {  	v6 =	vshrl.u32 v0, $0x10;
	v17 =	vmul.f32 v3, v2;
	v2 =	vld [tilespmem:$0x1FF70]  }
0x120: {  	v22 =	vand.u32 $0x1, v6  }
0x121: {  	v0 =	vadd.s32 v22, v0  }
0x122: {  	v18 =	vmul.f32 v43, v11;
	v0 =	vadd.s32 $0x7FFF, v0  }
0x123: {  	v0 =	vand.u32 $0xFFFF0000, v0  }
0x124: {  	[tilespmem:$0x1FB70] =	vst v18;
	v18 =	vmul.f32 v0, v2;
	v2 =	vld [tilespmem:$0x1FF90];
	_ =	sdelay $0x4  }
0x125: {  	v29 =	vmul.f32 v3, v2;
	v2 =	vld [tilespmem:$0x1FFA0];
	_ =	sdelay $0x4  }
0x126: {  	v38 =	vmul.f32 v0, v2;
	v2 =	vld [tilespmem:$0x1FFC0];
	_ =	sdelay $0x4  }
0x127: {  	v3 =	vmul.f32 v3, v2;
	v2 =	vld [tilespmem:$0x1FFD0];
	_ =	sdelay $0x4  }
0x128: {  	v0 =	vmul.f32 v0, v2;
	v2 =	vld [tilespmem:$0x1FFB0];
	_ =	sdelay $0x4  }
0x129: {  	v40 =	vmul.f32 v1, v2;
	v2 =	vld [tilespmem:$0x1FFE0];
	_ =	sdelay $0x1  }
0x12a: {  	v25 =	vor.u32 $0x3, v35;
	_ =	sdelay $0x1  }
0x12b: {  	[tilespmem:$0x1FE00] =	vst v60;
	v53 =	vmul.f32 v33, v58  }
0x12c: {  	[tilespmem:$0x1FDF0] =	vst v55;
	v1 =	vmul.f32 v1, v2;
	v2 =	vmul.f32 v33, v61  }
0x12d: {  	[tilespmem:$0x1FE90] =	vst v59;
	v51 =	vmul.f32 v60, v49;
	v48 =	vadd.f32 v0, v3;
	v0 =	vmul.f32 v60, v61  }
0x12e: {  	v14 =	vmul.f32 v43, v58;
	v15 =	vmov v58;
	v58 =	vld.idx.msk [tilespmem:v25+s13+$0x0], $0xffff;
	[tilespmem:$0x1FC50] =	vst v2;
	v2 =	vmul.f32 v34, v24  }
0x12f: {  	v31 =	vmul.f32 v34, v36;
	[tilespmem:$0x1FC60] =	vst v0;
	v0 =	vmul.f32 v33, v24  }
0x130: {  	v32 =	vmul.f32 v60, v11;
	[tilespmem:$0x1FD30] =	vst v51;
	v45 =	vadd.f32 v18, v17;
	v29 =	vadd.f32 v38, v29  }
0x131: {  	v46 =	vmul.f32 v60, v63;
	v52 =	vmul.f32 v33, v63;
	[tilespmem:$0x1FC10] =	vst v0  }
0x132: {  	v51 =	vmul.f32 v56, v24;
	v0 =	vadd.f32 v29, v40;
	[tilespmem:$0x1FC70] =	vst v2;
	v2 =	vmov v56  }
0x133: {  	v16 =	vmul.f32 v34, v63;
	[tilespmem:$0x1FD10] =	vst v46;
	v3 =	vadd.f32 v45, v7;
	v2 =	vmul.f32 v2, v58  }
0x134: {  	[tilespmem:$0x1FCB0] =	vst v51;
	v62 =	vmul.f32 v26, v63;
	v45 =	vmov v63;
	v51 =	vmul.f32 v0, v0  }
0x135: {  	v63 =	vadd.f32 v48, v1;
	v1 =	vmul.f32 v3, v3;
	[tilespmem:$0x1FC30] =	vst v2;
	v2 =	vmul.f32 v26, v57  }
0x136: {  	v37 =	vmul.f32 v34, v55;
	v59 =	vmul.f32 v33, v11;
	[tilespmem:$0x1FB00] =	vst v52;
	v20 =	vld.idx.msk [tilespmem:v20+s14+$0x0], $0xffff  }
0x137: {  	v52 =	vmul.f32 v12, v36;
	v41 =	vadd.f32 v51, v1;
	v48 =	vmul.f32 v63, v63;
	[tilespmem:$0x1FC20] =	vst v2;
	v2 =	vld [tilespmem:$0x1FFF0]  }
0x138: {  	[tilespmem:$0x1FD50] =	vst v59;
	v47 =	vmul.f32 v34, v49;
	v8 =	vmul.f32 v12, v11  }
0x139: {  	v9 =	vmovc v54;
	[tilespmem:$0x1FBB0] =	vst v52;
	v59 =	vmul.f32 v60, v57;
	v52 =	vmov s21;
	v18 =	vadd.f32 v41, v48  }
0x13a: {  	[tilespmem:$0x1FBA0] =	vst v16;
	v46 =	vmul.f32 v26, v55;
	v13 =	vshll.u32 v52, $0x4;
	v9 =	vmul.f32 v9, v58  }
0x13b: {  	v16 =	vmovc v60;
	[tilespmem:$0x1FB80] =	vst v47;
	v44 =	vmovc v55;
	v60 =	vmul.f32 v20, v55;
	v42 =	vshrl.u32 v18, $0x1;
	v55 =	vmul.f32 $5.000000000e-01, v18  }
0x13c: {  	[tilespmem:$0x1FCE0] =	vst v46;
	v6 =	vmul.f32 v26, v11;
	v46 =	vsub.s32 $0x5F3759DF, v42;
	v35 =	vor.u32 v2, v13  }
0x13d: {  	v30 =	vmul.f32 v26, v58;
	[tilespmem:$0x1FC40] =	vst v9;
	v29 =	vmovc v11;
	v47 =	vmul.f32 v46, v55;
	v9 =	vor.u32 $0x8, v35  }
0x13e: {  	v11 =	vmul.f32 v26, v49;
	v42 =	vmul.f32 v26, v24;
	[tilespmem:$0x1FEA0] =	vst v9;
	v9 =	vadd.f32 v32, v31  }
0x13f: {  	v19 =	vmul.f32 v46, v47;
	v47 =	vmul.f32 v26, v61;
	v26 =	vld [tilespmem:$0x1FB00]  }
0x140: {  	[tilespmem:$0x1FDD0] =	vst v9;
	v9 =	vld [tilespmem:$0x1FAF0];
	_ =	sdelay $0x4  }
0x141: {  	v9 =	vadd.f32 v26, v9  }
0x142: {  	v31 =	vld [tilespmem:$0x1FB20]  }
0x143: {  	[tilespmem:$0x1FDA0] =	vst v9;
	v9 =	vld [tilespmem:$0x1FB10];
	_ =	sdelay $0x2  }
0x144: {  	v19 =	vsub.f32 $1.500000000e+00, v19;
	_ =	sdelay $0x1  }
0x145: {  	v10 =	vld.idx.msk [tilespmem:v25+s14+$0x0], $0xffff;
	v19 =	vmul.f32 v46, v19;
	v9 =	vadd.f32 v31, v9  }
0x146: {  	v32 =	vld [tilespmem:$0x1FB40]  }
0x147: {  	v25 =	vmul.f32 v19, v55;
	[tilespmem:$0x1FD20] =	vst v9;
	v9 =	vld [tilespmem:$0x1FB30];
	_ =	sdelay $0x1  }
0x148: {  	v40 =	vmul.f32 v25, v19;
	_ =	sdelay $0x1  }
0x149: {  	v40 =	vsub.f32 $1.500000000e+00, v40  }
0x14a: {  	v9 =	vadd.f32 v32, v9  }
0x14b: {  	v52 =	vmul.f32 v40, v19;
	v40 =	vadd.f32 v53, v37;
	v37 =	vld [tilespmem:$0x1FB60]  }
0x14c: {  	[tilespmem:$0x1FD70] =	vst v9;
	v9 =	vld [tilespmem:$0x1FB50];
	_ =	sdelay $0x4  }
0x14d: {  	v9 =	vadd.f32 v37, v9  }
0x14e: {  	v19 =	vmul.f32 v52, v55;
	v55 =	vld [tilespmem:$0x1FB80]  }
0x14f: {  	[tilespmem:$0x1FD40] =	vst v9;
	v9 =	vld [tilespmem:$0x1FB70];
	_ =	sdelay $0x4  }
0x150: {  	v28 =	vmul.f32 v12, v49;
	v9 =	vadd.f32 v55, v9  }
0x151: {  	[tilespmem:$0x1FB90] =	vst v14;
	v21 =	vmul.f32 v12, v57;
	v39 =	vmul.f32 v20, v15;
	v32 =	vld [tilespmem:$0x1FBA0]  }
0x152: {  	v14 =	vmul.f32 v43, v24;
	v27 =	vmul.f32 v20, v24;
	[tilespmem:$0x1FD60] =	vst v9;
	v9 =	vld [tilespmem:$0x1FB90]  }
0x153: {  	[tilespmem:$0x1FC90] =	vst v54;
	v4 =	vmul.f32 v43, v57;
	v5 =	vmul.f32 v20, v36  }
0x154: {  	[tilespmem:$0x1FE10] =	vst v15;
	v54 =	vmul.f32 v20, v49;
	v50 =	vmov v15;
	v15 =	vmul.f32 v10, v44  }
0x155: {  	v44 =	vmul.f32 v10, v36;
	v5 =	vadd.f32 v8, v5;
	v8 =	vmul.f32 v10, v24  }
0x156: {  	[tilespmem:$0x1FBC0] =	vst v59;
	v16 =	vmul.f32 v16, v58;
	v22 =	vmul.f32 v33, v58;
	v37 =	vld [tilespmem:$0x1FBB0]  }
0x157: {  	v23 =	vmul.f32 v43, v58;
	v8 =	vsub.f32 $0.0e+00, v8;
	v55 =	vadd.f32 v32, v9;
	v32 =	vld [tilespmem:$0x1FBC0]  }
0x158: {  	v21 =	vsub.f32 v44, v21;
	v17 =	vmul.f32 v34, v57;
	v7 =	vmul.f32 v43, v61  }
0x159: {  	[tilespmem:$0x1FDB0] =	vst v56;
	v8 =	vadd.f32 v30, v8;
	v59 =	vmul.f32 v20, v29;
	v56 =	vmul.f32 v20, v45  }
0x15a: {  	v62 =	vadd.f32 v62, v60;
	v60 =	vld [tilespmem:$0x1FC00];
	v41 =	vmul.f32 v12, v45;
	[tilespmem:$0x1FEC0] =	vst v18;
	v18 =	vmul.f32 v10, v50  }
0x15b: {  	v54 =	vsub.f32 v54, v7;
	v50 =	vmul.f32 v10, v49;
	v9 =	vmul.f32 v19, v52;
	v19 =	vld [tilespmem:$0x1FBD0]  }
0x15c: {  	v7 =	vadd.f32 v11, v56;
	v2 =	vor.u32 $0xA, v35;
	v26 =	vsub.f32 v37, v32;
	v37 =	vld [tilespmem:$0x1FBE0]  }
0x15d: {  	v56 =	vmul.f32 v10, v57;
	[tilespmem:$0x1FE40] =	vst v2;
	v2 =	vor.u32 $0x9, v35;
	v9 =	vsub.f32 $1.500000000e+00, v9;
	v32 =	vld [tilespmem:$0x1FBF0]  }
0x15e: {  	v5 =	vsub.f32 v5, v17;
	v46 =	vmul.f32 v12, v24;
	[tilespmem:$0x1FE70] =	vst v2;
	v2 =	vmul.f32 v12, v61  }
0x15f: {  	v11 =	vadd.f32 v28, v59;
	v59 =	vld [tilespmem:$0x1FC10];
	v12 =	vmul.f32 v12, v58;
	v9 =	vmul.f32 v9, v52  }
0x160: {  	v44 =	vsub.f32 v7, v14;
	v25 =	vmul.f32 v10, v45;
	v31 =	vmul.f32 v10, v29  }
0x161: {  	v24 =	vmul.f32 v9, v9;
	v19 =	vadd.f32 v37, v19;
	v37 =	vmul.f32 v20, v57  }
0x162: {  	v25 =	vsub.f32 v25, v27;
	v60 =	vadd.f32 v60, v32;
	v32 =	vmul.f32 v10, v58  }
0x163: {  	v10 =	vmul.f32 v10, v61;
	v31 =	vsub.f32 v31, v37;
	v37 =	vmul.f32 v24, v9  }
0x164: {  	v53 =	vmul.f32 v20, v61;
	v52 =	vadd.f32 v41, v39;
	v41 =	vsub.f32 v62, v59  }
0x165: {  	v20 =	vmul.f32 v20, v58;
	v10 =	vsub.f32 $0.0e+00, v10;
	v62 =	vsub.f32 $0.0e+00, v37  }
0x166: {  	v27 =	vsub.f32 v50, v53;
	v39 =	vsub.f32 $0.0e+00, v56;
	v17 =	vmul.f32 v37, v24  }
0x167: {  	v28 =	vadd.f32 v6, v52;
	v50 =	vadd.f32 v20, v10;
	v52 =	vmul.f32 v62, v3  }
0x168: {  	v9 =	vmul.f32 v9, v32;
	v10 =	vsub.f32 v11, v4;
	v4 =	vmul.f32 $3.000000000e+00, v17  }
0x169: {  	v53 =	vadd.f32 v12, v39;
	v56 =	vmul.f32 v62, v0;
	v6 =	vmul.f32 v52, v50  }
0x16a: {  	v13 =	vmul.f32 v34, v58;
	v59 =	vsub.f32 v25, v47;
	v58 =	vmul.f32 v62, v63  }
0x16b: {  	v7 =	vmul.f32 v56, v53;
	v6 =	vadd.f32 v6, v9;
	v9 =	vmul.f32 v4, v1  }
0x16c: {  	v12 =	vmul.f32 v0, v3;
	v25 =	vsub.f32 v31, v2;
	v62 =	vadd.f32 v23, v27  }
0x16d: {  	v8 =	vmul.f32 v58, v8;
	v6 =	vadd.f32 v6, v7;
	v9 =	vsub.f32 v9, v37  }
0x16e: {  	v14 =	vmul.f32 v63, v3;
	v2 =	vadd.f32 v13, v25  }
0x16f: {  	v6 =	vadd.f32 v6, v8;
	v8 =	vmul.f32 v9, v62;
	v9 =	vmul.f32 v4, v12  }
0x170: {  	v27 =	vadd.f32 v22, v59;
	v30 =	vmul.f32 v4, v14  }
0x171: {  	v31 =	vld [tilespmem:$0x1FC20];
	v8 =	vadd.f32 v6, v8;
	v2 =	vmul.f32 v9, v2;
	v9 =	vmul.f32 v4, v51  }
0x172: {  	v11 =	vadd.f32 v16, v21;
	v20 =	vmul.f32 v17, v24  }
0x173: {  	v32 =	vld [tilespmem:$0x1FC30];
	v2 =	vadd.f32 v8, v2;
	v8 =	vmul.f32 v30, v27;
	v9 =	vsub.f32 v9, v37  }
0x174: {  	v15 =	vsub.f32 v15, v42;
	v18 =	vsub.f32 v18, v46  }
0x175: {  	v17 =	vmul.f32 $1.500000000e+01, v20;
	v2 =	vadd.f32 v2, v8;
	v8 =	vmul.f32 v9, v11;
	v9 =	vld [tilespmem:$0x1FC40]  }
0x176: {  	v42 =	vmul.f32 v4, v48;
	v18 =	vsub.f32 v18, v31;
	v7 =	vmul.f32 v63, v0  }
0x177: {  	v21 =	vmul.f32 v17, v1;
	v6 =	vmul.f32 $3.000000000e+00, v4  }
0x178: {  	v13 =	vadd.f32 v32, v18;
	v39 =	vmul.f32 v4, v7  }
0x179: {  	v47 =	vsub.f32 v6, v21;
	v11 =	vsub.f32 v42, v37  }
0x17a: {  	v2 =	vadd.f32 v2, v8;
	v8 =	vmul.f32 v39, v13;
	v9 =	vadd.f32 v9, v15;
	_ =	sdelay $0x1  }
0x17b: {  	v13 =	vmul.f32 v47, v3;
	v8 =	vadd.f32 v2, v8;
	v9 =	vmul.f32 v11, v9;
	v11 =	vld [tilespmem:$0x1FC50]  }
0x17c: {  	v46 =	vmul.f32 v34, v61;
	v52 =	vsub.f32 v4, v21  }
0x17d: {  	v8 =	vadd.f32 v8, v9;
	v9 =	vmul.f32 v13, v54  }
0x17e: {  	v10 =	vsub.f32 v10, v46;
	v53 =	vld [tilespmem:$0x1FC70];
	v56 =	vmul.f32 v52, v0  }
0x17f: {  	v50 =	vld [tilespmem:$0x1FC60];
	v2 =	vmul.f32 v17, v51;
	v8 =	vadd.f32 v8, v9  }
0x180: {  	v9 =	vmul.f32 v56, v10;
	v10 =	vmul.f32 v52, v63;
	v11 =	vsub.f32 v44, v11;
	_ =	sdelay $0x1  }
0x181: {  	v59 =	vsub.f32 v4, v2;
	v8 =	vadd.f32 v8, v9;
	v9 =	vmul.f32 v10, v11;
	v11 =	vld [tilespmem:$0x1FC80]  }
0x182: {  	v58 =	vsub.f32 $0.0e+00, v17;
	v62 =	vmul.f32 v33, v57;
	v15 =	vsub.f32 v28, v53  }
0x183: {  	v5 =	vsub.f32 v5, v50;
	v10 =	vmul.f32 v59, v3  }
0x184: {  	v25 =	vmul.f32 v58, v12;
	v15 =	vsub.f32 v15, v62  }
0x185: {  	v8 =	vadd.f32 v8, v9;
	v5 =	vmul.f32 v10, v5  }
0x186: {  	v9 =	vmul.f32 v25, v63;
	v10 =	vmul.f32 v20, v24;
	v11 =	vsub.f32 v15, v11  }
0x187: {  	v23 =	vld [tilespmem:$0x1FC90]  }
0x188: {  	v5 =	vadd.f32 v8, v5;
	v8 =	vmul.f32 v9, v11;
	v9 =	vmul.f32 $1.050000000e+02, v10;
	v10 =	vld [tilespmem:$0x1FCA0];
	_ =	sdelay $0x1  }
0x189: {  	v32 =	vld [tilespmem:$0x1FCC0];
	v13 =	vmul.f32 v17, v48  }
0x18a: {  	v30 =	vsub.f32 v6, v2  }
0x18b: {  	v27 =	vmul.f32 v23, v61;
	v28 =	vsub.f32 v4, v13  }
0x18c: {  	v11 =	vld [tilespmem:$0x1FCB0];
	v5 =	vadd.f32 v5, v8;
	v8 =	vmul.f32 v30, v0;
	v10 =	vsub.f32 v60, v10  }
0x18d: {  	v3 =	vmul.f32 v28, v3;
	v15 =	vsub.f32 v41, v27  }
0x18e: {  	v33 =	vld [tilespmem:$0x1FCD0];
	v34 =	vmul.f32 v8, v26;
	v8 =	vmul.f32 v59, v63;
	v10 =	vsub.f32 v10, v32  }
0x18f: {  	v42 =	vld [tilespmem:$0x1FCF0];
	v3 =	vmul.f32 v3, v15  }
0x190: {  	v31 =	vmul.f32 v9, v1;
	v41 =	vmul.f32 v8, v10;
	v10 =	vld [tilespmem:$0x1FCE0]  }
0x191: {  	v3 =	vadd.f32 v5, v3;
	v11 =	vsub.f32 v19, v11  }
0x192: {  	v39 =	vmul.f32 $6.000000000e+00, v21;
	v37 =	vsub.f32 v6, v13;
	v1 =	vmul.f32 v31, v1  }
0x193: {  	v0 =	vmul.f32 v28, v0;
	v3 =	vadd.f32 v3, v34;
	v11 =	vsub.f32 v11, v33  }
0x194: {  	v16 =	vmul.f32 v37, v63;
	v1 =	vsub.f32 v1, v39  }
0x195: {  	v0 =	vmul.f32 v0, v11;
	v3 =	vadd.f32 v3, v41;
	v10 =	vsub.f32 v10, v42  }
0x196: {  	v44 =	vmul.f32 v43, v49  }
0x197: {  	v1 =	vadd.f32 v1, v6;
	v0 =	vadd.f32 v3, v0;
	v3 =	vmul.f32 v16, v10;
	_ =	sdelay $0x1  }
0x198: {  	v1 =	vmul.f32 v1, v44;
	v0 =	vadd.f32 v0, v3  }
0x199: {  	v8 =	vmul.f32 $3.000000000e+00, v17  }
0x19a: {  	v0 =	vadd.f32 v0, v1;
	v1 =	vld [tilespmem:$0x1FD60]  }
0x19b: {  	v11 =	vsub.f32 v31, v8;
	_ =	sdelay $0x1  }
0x19c: {  	v3 =	vmul.f32 v11, v12;
	_ =	sdelay $0x1  }
0x19d: {  	v53 =	vld [tilespmem:$0x1FD40];
	v1 =	vmul.f32 v3, v1  }
0x19e: {  	v52 =	vmul.f32 v11, v14;
	v11 =	vld [tilespmem:$0x1FD30]  }
0x19f: {  	v0 =	vadd.f32 v0, v1;
	v1 =	vld [tilespmem:$0x1FD70]  }
0x1a0: {  	v47 =	vadd.f32 v2, v21;
	v10 =	vmul.f32 v31, v51;
	_ =	sdelay $0x1  }
0x1a1: {  	v54 =	vld [tilespmem:$0x1FD50];
	v3 =	vsub.f32 v10, v47;
	_ =	sdelay $0x1  }
0x1a2: {  	v58 =	vld [tilespmem:$0x1FD80];
	v11 =	vadd.f32 v11, v53;
	v3 =	vadd.f32 v3, v4;
	v1 =	vmul.f32 v52, v1  }
0x1a3: {  	v59 =	vld [tilespmem:$0x1FDA0]  }
0x1a4: {  	v56 =	vadd.f32 v13, v21;
	v0 =	vadd.f32 v0, v1;
	v1 =	vmul.f32 v3, v11;
	v11 =	vld [tilespmem:$0x1FD90]  }
0x1a5: {  	v20 =	vadd.f32 v54, v55;
	v15 =	vmul.f32 v31, v48;
	v10 =	vsub.f32 v31, v17;
	_ =	sdelay $0x1  }
0x1a6: {  	v20 =	vadd.f32 v58, v20;
	v10 =	vmul.f32 v10, v7;
	v3 =	vsub.f32 v15, v56  }
0x1a7: {  	v0 =	vadd.f32 v0, v1  }
0x1a8: {  	v50 =	vld [tilespmem:$0x1FD20];
	v1 =	vmul.f32 v10, v20;
	v3 =	vadd.f32 v3, v4;
	v11 =	vadd.f32 v11, v59  }
0x1a9: {  	v61 =	vld [tilespmem:$0x1FDB0]  }
0x1aa: {  	v49 =	vld [tilespmem:$0x1FD10];
	v0 =	vadd.f32 v0, v1;
	v1 =	vmul.f32 v3, v11  }
0x1ab: {  	v57 =	vmul.f32 v9, v51  }
0x1ac: {  	v0 =	vadd.f32 v0, v1;
	v1 =	vld [tilespmem:$0x1FDD0]  }
0x1ad: {  	v60 =	vsub.f32 v57, v8  }
0x1ae: {  	v62 =	vmul.f32 v61, v29  }
0x1af: {  	v46 =	vld [tilespmem:$0x1FD00];
	v19 =	vadd.f32 v49, v50;
	v10 =	vsub.f32 v57, v17;
	v3 =	vmul.f32 v60, v12;
	_ =	sdelay $0x1  }
0x1b0: {  	v63 =	vld [tilespmem:$0x1FDC0];
	v11 =	vadd.f32 v62, v19;
	v1 =	vmul.f32 v3, v1;
	v3 =	vmul.f32 v10, v14  }
0x1b1: {  	v9 =	vmul.f32 v9, v48  }
0x1b2: {  	v0 =	vadd.f32 v0, v1;
	v1 =	vmul.f32 v3, v11;
	v11 =	vld [tilespmem:$0x1FDE0]  }
0x1b3: {  	v18 =	vadd.f32 v46, v40;
	v24 =	vsub.f32 v9, v17  }
0x1b4: {  	v8 =	vsub.f32 v9, v8  }
0x1b5: {  	v25 =	vmul.f32 v23, v45;
	v18 =	vadd.f32 v63, v18;
	v3 =	vmul.f32 v24, v12  }
0x1b6: {  	v27 =	vmul.f32 v8, v14  }
0x1b7: {  	v0 =	vadd.f32 v0, v1;
	v1 =	vmul.f32 v3, v18;
	v11 =	vadd.f32 v25, v11;
	_ =	sdelay $0x1  }
0x1b8: {  	v29 =	vld [tilespmem:$0x1FE00];
	v0 =	vadd.f32 v0, v1;
	v1 =	vmul.f32 v27, v11  }
0x1b9: {  	v28 =	vld [tilespmem:$0x1FDF0];
	v26 =	vmul.f32 $6.000000000e+00, v2;
	v10 =	vmul.f32 v57, v51  }
0x1ba: {  	v0 =	vadd.f32 v0, v1;
	v1 =	vld [tilespmem:$0x1FE50]  }
0x1bb: {  	v30 =	vld [tilespmem:$0x1FE10];
	v3 =	vsub.f32 v10, v26  }
0x1bc: {  	v40 =	vld [tilespmem:$0x1FE30]  }
0x1bd: {  	v42 =	vld [tilespmem:$0x1FE40];
	v3 =	vadd.f32 v3, v6  }
0x1be: {  	v36 =	vor.u32 $0xC, v35;
	v46 =	vld [tilespmem:$0x1FE90]  }
0x1bf: {  	v38 =	vor.u32 $0xB, v35;
	v5 =	vmul.f32 v57, v48;
	v1 =	vmul.f32 v3, v1;
	v3 =	vld [tilespmem:$0x1FE60]  }
0x1c0: {  	v45 =	vld [tilespmem:$0x1FE80];
	v2 =	vadd.f32 v13, v2;
	v16 =	vmul.f32 v61, v30;
	v14 =	vmul.f32 v29, v28  }
0x1c1: {  	v44 =	vld [tilespmem:$0x1FE70]  }
0x1c2: {  	v2 =	vsub.f32 v5, v2;
	v14 =	vadd.f32 v16, v14;
	v11 =	vld [tilespmem:$0x1FE20]  }
0x1c3: {  	v43 =	vmul.f32 v9, v48;
	v31 =	vld.idx.msk [tilespmem:v36+s13+$0x0], $0xffff  }
0x1c4: {  	v2 =	vadd.f32 v2, v4;
	v9 =	vmul.f32 $6.000000000e+00, v13;
	v56 =	vld.idx.msk [tilespmem:v38+s14+$0x0], $0xffff;
	v3 =	vadd.f32 v3, v14  }
0x1c5: {  	v41 =	vmul.f32 v60, v7;
	v60 =	vld.idx.msk [tilespmem:v42+s14+$0x0], $0xffff  }
0x1c6: {  	v2 =	vmul.f32 v2, v3;
	v3 =	vsub.f32 v43, v9;
	v9 =	vld [tilespmem:$0x1FEA0]  }
0x1c7: {  	v10 =	vld.idx.msk [tilespmem:v36+s14+$0x0], $0xffff;
	v11 =	vadd.f32 v40, v11  }
0x1c8: {  	v36 =	vld.idx.msk [tilespmem:v42+s13+$0x0], $0xffff;
	v1 =	vadd.f32 v0, v1;
	v0 =	vor.u32 $0x7, v35  }
0x1c9: {  	v58 =	vld.idx.msk [tilespmem:v38+s13+$0x0], $0xffff;
	v11 =	vmul.f32 v41, v11  }
0x1ca: {  	p0 =	sne.s32 s21, $0x70;
	v7 =	vmul.f32 v8, v7;
	v4 =	vadd.f32 v46, v45  }
.Ltmp0:
0x1cb: {  	v33 =	vld.idx.msk [tilespmem:v44+s14+$0x0], $0xffff;
	v47 =	vmul.f32 v23, v28;
	v8 =	vadd.f32 v1, v11;
	(pc) =	sbr.rel @p0 .LBB2_3-.Ltmp0, $4  }
0x1cc: {  	v63 =	vld.idx.msk [tilespmem:v44+s13+$0x0], $0xffff;
	v4 =	vmul.f32 v7, v4;
	v57 =	vmul.f32 v56, v31;
	v54 =	vmov v10  }
0x1cd: {  	v62 =	vmul.f32 v60, v36;
	v49 =	vld.idx.msk [tilespmem:v0+s13+$0x0], $0xffff;
	v8 =	vadd.f32 v8, v2;
	v3 =	vadd.f32 v3, v6  }
0x1ce: {  	s22 =	sor.u32 s19, s20;
	v61 =	vmul.f32 v54, v36;
	v59 =	vmul.f32 v54, v58;
	v1 =	vor.u32 $0x2, v35;
	v11 =	vld.idx.msk [tilespmem:v9+s13+$0x0], $0xffff  }
0x1cf: {  	s20 =	smov.u32 s21;
	p1 =	slt.u32 s22, $0xC3500;
	s21 =	sadd.s32 $0x10, s21;
	v55 =	vmovc v31;
	v2 =	vor.u32 $0x1, v35;
	v40 =	vadd.f32 v8, v4;
	v39 =	vmul.f32 v3, v47;
	v34 =	vld.idx.msk [tilespmem:v9+s14+$0x0], $0xffff  }
0x1d0: {  	_ =	sdelay $0x3  }
0x1d1: {  	v3 =	vld.idx.msk [tilespmem:v35+s13+$0x0], $0xffff  }
0x1d2: {  	v4 =	vld.idx.msk [tilespmem:v35+s14+$0x0], $0xffff  }
0x1d3: {  	v6 =	vld.idx.msk [tilespmem:v2+s13+$0x0], $0xffff  }
0x1d4: {  	v2 =	vld.idx.msk [tilespmem:v2+s14+$0x0], $0xffff  }
0x1d5: {  	v5 =	vld.idx.msk [tilespmem:v1+s13+$0x0], $0xffff  }
0x1d6: {  	v1 =	vld.idx.msk [tilespmem:v1+s14+$0x0], $0xffff  }
0x1d7: {  	v24 =	vld [tilespmem:$0x1FED0]  }
0x1d8: {  	v25 =	vld [tilespmem:$0x1FF30];
	v3 =	vsub.f32 v4, v3  }
0x1d9: {  	v26 =	vld [tilespmem:$0x1FF00];
	v2 =	vsub.f32 v2, v6  }
0x1da: {  	v27 =	vld [tilespmem:$0x1FF40];
	v4 =	vshrl.u32 v3, $0x10  }
0x1db: {  	v7 =	vld [tilespmem:$0x1FEE0];
	v20 =	vshrl.u32 v2, $0x10;
	v4 =	vand.u32 $0x1, v4  }
0x1dc: {  	v8 =	vld [tilespmem:$0x1FF10];
	v21 =	vand.u32 $0x1, v20;
	v3 =	vadd.s32 v4, v3  }
0x1dd: {  	v2 =	vadd.s32 v21, v2;
	v3 =	vadd.s32 $0x7FFF, v3  }
0x1de: {  	v1 =	vsub.f32 v1, v5;
	v2 =	vadd.s32 $0x7FFF, v2;
	v3 =	vand.u32 $0xFFFF0000, v3  }
0x1df: {  	v2 =	vand.u32 $0xFFFF0000, v2;
	v4 =	vmul.f32 v3, v24;
	v5 =	vmul.f32 v3, v25  }
0x1e0: {  	v3 =	vmul.f32 v3, v26;
	v6 =	vmul.f32 v2, v27  }
0x1e1: {  	v28 =	vld [tilespmem:$0x1FEF0];
	v22 =	vshrl.u32 v1, $0x10;
	v7 =	vmul.f32 v2, v7;
	v2 =	vmul.f32 v2, v8  }
0x1e2: {  	v29 =	vld [tilespmem:$0x1FF50];
	v23 =	vand.u32 $0x1, v22  }
0x1e3: {  	v1 =	vadd.s32 v23, v1;
	v2 =	vadd.f32 v2, v3;
	v3 =	vld [tilespmem:$0x1FF20]  }
0x1e4: {  	v1 =	vadd.s32 $0x7FFF, v1  }
0x1e5: {  	v1 =	vand.u32 $0xFFFF0000, v1  }
0x1e6: {  	v8 =	vmul.f32 v1, v28  }
0x1e7: {  	v5 =	vadd.f32 v6, v5;
	v6 =	vmul.f32 v1, v29;
	v4 =	vadd.f32 v7, v4  }
0x1e8: {  	v1 =	vmul.f32 v1, v3  }
0x1e9: {  	v4 =	vadd.f32 v8, v4;
	v3 =	vadd.f32 v6, v5  }
0x1ea: {  	v1 =	vadd.f32 v1, v2  }
0x1eb: {  	v30 =	vadd.f32 $1.258291200e+07, v4;
	v2 =	vadd.f32 $1.258291200e+07, v3  }
0x1ec: {  	v31 =	vadd.f32 $1.258291200e+07, v1  }
0x1ed: {  	v5 =	vadd.f32 $-1.258291200e+07, v30;
	v2 =	vadd.f32 $-1.258291200e+07, v2  }
0x1ee: {  	v38 =	vld [tilespmem:$0x1FF60];
	v6 =	vadd.f32 $-1.258291200e+07, v31  }
0x1ef: {  	v41 =	vld [tilespmem:$0x1FF70];
	v2 =	vsub.f32 v3, v2;
	v3 =	vsub.f32 v4, v5  }
0x1f0: {  	v42 =	vld [tilespmem:$0x1FF90];
	v1 =	vsub.f32 v1, v6  }
0x1f1: {  	v43 =	vld [tilespmem:$0x1FFA0];
	v5 =	vshrl.u32 v3, $0x10  }
0x1f2: {  	v9 =	vld [tilespmem:$0x1FFC0];
	v5 =	vand.u32 $0x1, v5;
	v6 =	vshrl.u32 v1, $0x10  }
0x1f3: {  	v44 =	vld [tilespmem:$0x1FFD0];
	v3 =	vadd.s32 v5, v3;
	v6 =	vand.u32 $0x1, v6  }
0x1f4: {  	v3 =	vadd.s32 $0x7FFF, v3;
	v1 =	vadd.s32 v6, v1  }
0x1f5: {  	v3 =	vand.u32 $0xFFFF0000, v3;
	v1 =	vadd.s32 $0x7FFF, v1  }
0x1f6: {  	v5 =	vmul.f32 v3, v38;
	v7 =	vmul.f32 v3, v42;
	v1 =	vand.u32 $0xFFFF0000, v1  }
0x1f7: {  	v37 =	vld [tilespmem:$0x1FF80];
	v32 =	vshrl.u32 v2, $0x10;
	v3 =	vmul.f32 v3, v9;
	v6 =	vmul.f32 v1, v41  }
0x1f8: {  	v46 =	vld [tilespmem:$0x1FFB0];
	v4 =	vand.u32 $0x1, v32;
	v8 =	vmul.f32 v1, v43;
	v1 =	vmul.f32 v1, v44  }
0x1f9: {  	v2 =	vadd.s32 v4, v2  }
0x1fa: {  	v2 =	vadd.s32 $0x7FFF, v2;
	v1 =	vadd.f32 v1, v3;
	v3 =	vld [tilespmem:$0x1FFE0]  }
0x1fb: {  	v2 =	vand.u32 $0xFFFF0000, v2  }
0x1fc: {  	v47 =	vor.u32 $0x5, v35;
	v4 =	vmul.f32 v2, v37  }
0x1fd: {  	v5 =	vadd.f32 v6, v5;
	v45 =	vadd.f32 v8, v7;
	v7 =	vmul.f32 v2, v46  }
0x1fe: {  	v21 =	vor.u32 $0x4, v35  }
0x1ff: {  	v0 =	vld.idx.msk [tilespmem:v0+s14+$0x0], $0xffff;
	v5 =	vadd.f32 v5, v4;
	v4 =	vadd.f32 v45, v7;
	v2 =	vmul.f32 v2, v3  }
0x200: {  	v10 =	vor.u32 $0x6, v35;
	v15 =	vmul.f32 v33, v58;
	v19 =	vmul.f32 v33, v36  }
0x201: {  	v22 =	vld.idx.msk [tilespmem:v47+s14+$0x0], $0xffff;
	v9 =	vmul.f32 v4, v4;
	v3 =	vmul.f32 v5, v5;
	v2 =	vadd.f32 v1, v2  }
0x202: {  	v52 =	vmul.f32 v34, v36;
	v12 =	vmul.f32 v34, v55  }
0x203: {  	v16 =	vmul.f32 v34, v58;
	v31 =	vld.idx.msk [tilespmem:v21+s14+$0x0], $0xffff;
	v1 =	vadd.f32 v9, v3;
	v18 =	vmul.f32 v2, v2  }
0x204: {  	v13 =	vld.idx.msk [tilespmem:v47+s13+$0x0], $0xffff;
	v20 =	vmul.f32 v0, v55;
	v23 =	vmul.f32 v33, v63  }
0x205: {  	v24 =	vmul.f32 v33, v49;
	v28 =	vld.idx.msk [tilespmem:v10+s14+$0x0], $0xffff;
	v25 =	vmul.f32 v0, v36;
	v1 =	vadd.f32 v1, v18  }
0x206: {  	v26 =	vld.idx.msk [tilespmem:v21+s13+$0x0], $0xffff;
	v30 =	vmul.f32 v22, v36;
	v21 =	vmul.f32 v22, v58  }
0x207: {  	v32 =	vmul.f32 v22, v55;
	v42 =	vld.idx.msk [tilespmem:v10+s13+$0x0], $0xffff;
	v48 =	vshrl.u32 v1, $0x1;
	v14 =	vmul.f32 $5.000000000e-01, v1  }
0x208: {  	v47 =	vmul.f32 v31, v36;
	v7 =	vmul.f32 v60, v11;
	v8 =	vmovc v11;
	v11 =	vsub.s32 $0x5F3759DF, v48  }
0x209: {  	v53 =	vmul.f32 v31, v63;
	v17 =	vmul.f32 v11, v14  }
0x20a: {  	v10 =	vmul.f32 v34, v49;
	v37 =	vmul.f32 v28, v58  }
0x20b: {  	v41 =	vmul.f32 v28, v36;
	v43 =	vor.u32 $0x3, v35;
	v50 =	vmul.f32 v11, v17  }
0x20c: {  	v46 =	vmul.f32 v34, v13;
	v44 =	vmul.f32 v33, v42  }
0x20d: {  	v45 =	vmul.f32 v28, v63;
	v52 =	vadd.f32 v7, v52;
	v6 =	vsub.f32 $1.500000000e+00, v50  }
0x20e: {  	v15 =	vadd.f32 v15, v12;
	v27 =	vmul.f32 v34, v8;
	v29 =	vmul.f32 v0, v8  }
0x20f: {  	v7 =	vadd.f32 v23, v20;
	[tilespmem:$0x1FAD0] =	vst v52;
	v17 =	vmul.f32 v0, v63;
	v6 =	vmul.f32 v11, v6  }
0x210: {  	v52 =	vld.idx.msk [tilespmem:v43+s14+$0x0], $0xffff;
	[tilespmem:$0x1FAE0] =	vst v1;
	v48 =	vmul.f32 v22, v8;
	v1 =	vmov v49;
	v49 =	vmul.f32 v31, v49  }
0x211: {  	v23 =	vmul.f32 v28, v1;
	v12 =	vadd.f32 v24, v17;
	v38 =	vmul.f32 v6, v14  }
0x212: {  	v17 =	vadd.f32 v27, v25;
	v25 =	vmul.f32 v31, v8;
	v27 =	vmul.f32 v22, v1  }
0x213: {  	v23 =	vadd.f32 v23, v53;
	v53 =	vmul.f32 v31, v13;
	v51 =	vmul.f32 v38, v6  }
0x214: {  	v24 =	vmul.f32 v22, v63;
	v11 =	vmul.f32 v60, v13;
	v25 =	vadd.f32 v27, v25  }
0x215: {  	v27 =	vmul.f32 v52, v1;
	v38 =	vmul.f32 v31, v55;
	v35 =	vsub.f32 $1.500000000e+00, v51  }
0x216: {  	v20 =	vsub.f32 v30, v11;
	v11 =	vmul.f32 v52, v55;
	v51 =	vmul.f32 v0, v26  }
0x217: {  	v30 =	vadd.f32 v45, v38;
	v38 =	vmul.f32 v52, v58;
	v50 =	vmul.f32 v35, v6  }
0x218: {  	v6 =	vadd.f32 v19, v16;
	v19 =	vmul.f32 v31, v58;
	v16 =	vadd.f32 v10, v29  }
0x219: {  	v35 =	vadd.f32 v37, v32;
	v29 =	vmul.f32 v28, v42;
	v32 =	vmul.f32 v52, v36  }
0x21a: {  	v10 =	vadd.f32 v41, v21;
	v21 =	vmul.f32 v22, v13;
	v41 =	vmul.f32 v22, v42  }
0x21b: {  	v37 =	vadd.f32 v48, v47;
	v47 =	vmul.f32 v52, v63;
	v14 =	vmul.f32 v50, v14  }
0x21c: {  	v45 =	vsub.f32 v49, v51;
	v48 =	vmul.f32 v31, v42;
	v49 =	vmul.f32 v0, v42  }
0x21d: {  	v30 =	vsub.f32 v30, v44;
	v19 =	vadd.f32 v24, v19;
	v14 =	vmul.f32 v14, v50  }
0x21e: {  	v51 =	vmul.f32 v28, v8;
	v21 =	vsub.f32 v32, v21;
	v32 =	vld.idx.msk [tilespmem:v43+s13+$0x0], $0xffff;
	v11 =	vsub.f32 v11, v29  }
0x21f: {  	v24 =	vmul.f32 v31, v26;
	v47 =	vsub.f32 v47, v48;
	v14 =	vsub.f32 $1.500000000e+00, v14  }
0x220: {  	v43 =	vmul.f32 v52, v8;
	v38 =	vsub.f32 v38, v41;
	v37 =	vsub.f32 v37, v46  }
0x221: {  	v23 =	vsub.f32 v23, v49;
	v24 =	vsub.f32 v27, v24;
	v14 =	vmul.f32 v14, v50  }
0x222: {  	v44 =	vadd.f32 v51, v19;
	v19 =	vmul.f32 v52, v13;
	v50 =	vmul.f32 v52, v26  }
0x223: {  	v29 =	vsub.f32 v43, v53;
	v51 =	vmul.f32 v0, v32;
	v48 =	vmul.f32 v14, v14  }
0x224: {  	v31 =	vmul.f32 v31, v32;
	v41 =	vmul.f32 v52, v32;
	v27 =	vsub.f32 $0.0e+00, v50  }
0x225: {  	v19 =	vsub.f32 $0.0e+00, v19;
	v24 =	vadd.f32 v51, v24;
	v43 =	vmul.f32 v48, v14  }
0x226: {  	v41 =	vmul.f32 v14, v41;
	v27 =	vadd.f32 v31, v27;
	v31 =	vmul.f32 v60, v32  }
0x227: {  	v14 =	vmul.f32 v52, v42;
	v52 =	vmul.f32 v22, v32;
	v46 =	vsub.f32 $0.0e+00, v43  }
0x228: {  	v51 =	vmul.f32 v34, v32;
	v22 =	vmul.f32 v22, v26;
	v21 =	vadd.f32 v31, v21  }
0x229: {  	v50 =	vmul.f32 v43, v48;
	v19 =	vadd.f32 v52, v19;
	v53 =	vmul.f32 v46, v5  }
0x22a: {  	v22 =	vsub.f32 v29, v22;
	v52 =	vmul.f32 v28, v26;
	v31 =	vmul.f32 v46, v4  }
0x22b: {  	v14 =	vsub.f32 $0.0e+00, v14;
	v27 =	vmul.f32 v53, v27;
	v53 =	vmul.f32 v28, v32  }
0x22c: {  	v22 =	vadd.f32 v51, v22;
	v51 =	vmul.f32 v28, v13;
	v19 =	vmul.f32 v31, v19  }
0x22d: {  	v49 =	vadd.f32 v53, v14;
	v14 =	vmul.f32 $3.000000000e+00, v50;
	v27 =	vadd.f32 v27, v41  }
0x22e: {  	v29 =	vmul.f32 v2, v5;
	v41 =	vmul.f32 v46, v2  }
0x22f: {  	v38 =	vsub.f32 v38, v51;
	v53 =	vmul.f32 v14, v3;
	v19 =	vadd.f32 v27, v19  }
0x230: {  	v31 =	vmul.f32 v41, v49;
	v41 =	vmul.f32 v4, v5;
	v27 =	vsub.f32 v47, v52  }
0x231: {  	v47 =	vmul.f32 v54, v32;
	v52 =	vmul.f32 v14, v9;
	v46 =	vsub.f32 v53, v43  }
0x232: {  	v53 =	vmul.f32 v33, v32;
	v19 =	vadd.f32 v19, v31;
	v49 =	vmul.f32 v14, v41  }
0x233: {  	v31 =	vmul.f32 v14, v29;
	v32 =	vmul.f32 v56, v32;
	v51 =	vsub.f32 v52, v43  }
0x234: {  	v52 =	vmul.f32 v14, v18;
	v11 =	vadd.f32 v47, v11;
	v24 =	vmul.f32 v46, v24  }
0x235: {  	v47 =	vmul.f32 v34, v26;
	v27 =	vadd.f32 v53, v27;
	v22 =	vmul.f32 v49, v22  }
0x236: {  	v49 =	vmul.f32 v50, v48;
	v21 =	vmul.f32 v51, v21;
	v19 =	vadd.f32 v19, v24  }
0x237: {  	v32 =	vadd.f32 v32, v38;
	v50 =	vmul.f32 v0, v13;
	v24 =	vmul.f32 v2, v4  }
0x238: {  	v27 =	vmul.f32 v31, v27;
	v53 =	vadd.f32 v19, v22;
	v22 =	vmul.f32 $1.500000000e+01, v49  }
0x239: {  	v38 =	vsub.f32 v52, v43;
	v51 =	vmul.f32 v33, v26;
	v19 =	vmul.f32 $3.000000000e+00, v14  }
0x23a: {  	v27 =	vadd.f32 v53, v27;
	v53 =	vmul.f32 v14, v24;
	v46 =	vmul.f32 v22, v3  }
0x23b: {  	v25 =	vsub.f32 v25, v50;
	v11 =	vmul.f32 v38, v11;
	v23 =	vsub.f32 v23, v51  }
0x23c: {  	v21 =	vadd.f32 v27, v21;
	v31 =	vmul.f32 v53, v32;
	v52 =	vsub.f32 v19, v46  }
0x23d: {  	v51 =	vmul.f32 v34, v42;
	v25 =	vsub.f32 v25, v47;
	v53 =	vmul.f32 v60, v26  }
0x23e: {  	v50 =	vsub.f32 v14, v46;
	v21 =	vadd.f32 v21, v31;
	v43 =	vmul.f32 v52, v5  }
0x23f: {  	v47 =	vmul.f32 v56, v26;
	v38 =	vmul.f32 v22, v9;
	v32 =	vsub.f32 v37, v53  }
0x240: {  	v52 =	vmul.f32 v50, v4;
	v11 =	vadd.f32 v21, v11;
	v27 =	vmul.f32 v43, v45  }
0x241: {  	v53 =	vmul.f32 v33, v13;
	v45 =	vmul.f32 v50, v2;
	v50 =	vsub.f32 $0.0e+00, v22  }
0x242: {  	v21 =	vsub.f32 v44, v51;
	v25 =	vmul.f32 v52, v25;
	v11 =	vadd.f32 v11, v27  }
0x243: {  	v27 =	vsub.f32 v14, v38;
	v23 =	vmul.f32 v45, v23;
	v52 =	vmul.f32 v50, v41  }
0x244: {  	v21 =	vsub.f32 v21, v53;
	v53 =	vmul.f32 v54, v26;
	v50 =	vmul.f32 v49, v48  }
0x245: {  	v48 =	vmul.f32 v34, v63;
	v34 =	vmul.f32 v56, v63;
	v25 =	vadd.f32 v11, v25  }
0x246: {  	v51 =	vmul.f32 v27, v5;
	v21 =	vsub.f32 v21, v47;
	v11 =	vmul.f32 v22, v18  }
0x247: {  	v47 =	vmul.f32 v60, v42;
	v37 =	vmul.f32 v52, v2;
	v52 =	vsub.f32 v19, v38  }
0x248: {  	v27 =	vmul.f32 v27, v2;
	v23 =	vadd.f32 v25, v23;
	v45 =	vmul.f32 v51, v32  }
0x249: {  	v25 =	vsub.f32 v30, v53;
	v53 =	vmul.f32 v56, v42;
	v21 =	vmul.f32 v37, v21  }
0x24a: {  	v51 =	vsub.f32 v14, v11;
	v30 =	vmul.f32 v52, v4;
	v37 =	vmul.f32 v28, v55  }
0x24b: {  	v10 =	vsub.f32 v10, v47;
	v42 =	vmul.f32 v54, v42;
	v47 =	vmul.f32 v0, v58  }
0x24c: {  	v0 =	vmul.f32 v0, v1;
	v23 =	vadd.f32 v23, v45;
	v5 =	vmul.f32 v51, v5  }
0x24d: {  	v26 =	vsub.f32 v35, v53;
	v35 =	vmul.f32 v56, v13;
	v20 =	vmul.f32 v30, v20  }
0x24e: {  	v44 =	vsub.f32 v19, v11;
	v13 =	vmul.f32 v54, v13;
	v4 =	vmul.f32 v51, v4  }
0x24f: {  	v5 =	vmul.f32 v5, v25;
	v21 =	vadd.f32 v23, v21;
	v25 =	vmul.f32 $1.050000000e+02, v50  }
0x250: {  	v45 =	vmul.f32 $6.000000000e+00, v46;
	v2 =	vmul.f32 v44, v2;
	v53 =	vadd.f32 v38, v46  }
0x251: {  	v10 =	vsub.f32 v10, v35;
	v5 =	vadd.f32 v21, v5;
	v43 =	vmul.f32 v25, v3  }
0x252: {  	v13 =	vsub.f32 v26, v13;
	v50 =	vmul.f32 v60, v1;
	v23 =	vadd.f32 v11, v46  }
0x253: {  	v10 =	vmul.f32 v27, v10;
	v5 =	vadd.f32 v5, v20;
	v3 =	vmul.f32 v43, v3  }
0x254: {  	v21 =	vsub.f32 v37, v42;
	v4 =	vmul.f32 v4, v13;
	v13 =	vmul.f32 $3.000000000e+00, v22  }
0x255: {  	v51 =	vmul.f32 v33, v8;
	v5 =	vadd.f32 v5, v10;
	v3 =	vsub.f32 v3, v45  }
0x256: {  	v17 =	vadd.f32 v50, v17;
	v27 =	vmul.f32 v54, v1;
	v49 =	vsub.f32 v43, v13  }
0x257: {  	v2 =	vmul.f32 v2, v21;
	v4 =	vadd.f32 v5, v4;
	v3 =	vadd.f32 v3, v19  }
0x258: {  	v31 =	vmul.f32 v25, v9;
	v52 =	vmul.f32 v43, v9;
	v28 =	vsub.f32 v43, v22  }
0x259: {  	v2 =	vadd.f32 v4, v2;
	v0 =	vmul.f32 v3, v0;
	v3 =	vmul.f32 v49, v41  }
0x25a: {  	v37 =	vmul.f32 v54, v8;
	v10 =	vadd.f32 v48, v47;
	v4 =	vsub.f32 v52, v53  }
0x25b: {  	v0 =	vadd.f32 v2, v0;
	v2 =	vmul.f32 v3, v16;
	v3 =	vmul.f32 v49, v29  }
0x25c: {  	v21 =	vmul.f32 v43, v18;
	v20 =	vadd.f32 v51, v10;
	v4 =	vadd.f32 v4, v14  }
0x25d: {  	v0 =	vadd.f32 v0, v2;
	v2 =	vmul.f32 v56, v1;
	v3 =	vmul.f32 v3, v12  }
0x25e: {  	v44 =	vmul.f32 v25, v18;
	v30 =	vsub.f32 v21, v23;
	v32 =	vmul.f32 v28, v24  }
0x25f: {  	v2 =	vadd.f32 v2, v20;
	v0 =	vadd.f32 v0, v3;
	v3 =	vmul.f32 v4, v17  }
0x260: {  	v50 =	vmul.f32 $6.000000000e+00, v38;
	v35 =	vsub.f32 v31, v13;
	v5 =	vadd.f32 v27, v7;
	v1 =	vld [tilespmem:$0x1FAD0]  }
0x261: {  	v4 =	vadd.f32 v30, v14;
	v0 =	vadd.f32 v0, v3;
	v2 =	vmul.f32 v32, v2  }
0x262: {  	v43 =	vmul.f32 v56, v8;
	v3 =	vmul.f32 v60, v63  }
0x263: {  	v42 =	vmul.f32 v35, v41;
	v0 =	vadd.f32 v0, v2;
	v2 =	vmul.f32 v4, v5  }
0x264: {  	v45 =	vsub.f32 v31, v22;
	v47 =	vmul.f32 v54, v63;
	v3 =	vadd.f32 v3, v6  }
0x265: {  	v7 =	vadd.f32 v34, v15;
	v1 =	vmul.f32 v42, v1;
	v0 =	vadd.f32 v0, v2  }
0x266: {  	v46 =	vmul.f32 v45, v29;
	v2 =	vadd.f32 v43, v3;
	v3 =	vsub.f32 v44, v22  }
0x267: {  	v48 =	vsub.f32 v44, v13;
	v0 =	vadd.f32 v0, v1;
	v1 =	vmul.f32 v33, v55  }
0x268: {  	v6 =	vadd.f32 v37, v7;
	v2 =	vmul.f32 v46, v2;
	v3 =	vmul.f32 v3, v41  }
0x269: {  	v51 =	vmul.f32 v56, v58;
	v49 =	vmul.f32 v31, v9;
	v1 =	vadd.f32 v47, v1  }
0x26a: {  	v0 =	vadd.f32 v0, v2;
	v2 =	vmul.f32 v3, v6;
	v3 =	vmul.f32 v48, v29  }
0x26b: {  	v52 =	vmul.f32 v56, v36;
	v53 =	vmul.f32 v31, v18;
	v5 =	vsub.f32 v49, v50  }
0x26c: {  	v56 =	vadd.f32 v11, v38;
	v1 =	vmul.f32 v3, v1;
	v3 =	vmul.f32 v60, v55  }
0x26d: {  	v5 =	vadd.f32 v5, v19;
	v0 =	vadd.f32 v0, v2;
	v2 =	vmul.f32 v60, v58  }
0x26e: {  	v58 =	vsub.f32 v53, v56;
	v60 =	vmul.f32 v35, v24;
	v3 =	vadd.f32 v51, v3  }
0x26f: {  	v0 =	vadd.f32 v0, v1;
	v1 =	vmul.f32 v5, v62;
	v2 =	vadd.f32 v52, v2  }
0x270: {  	v62 =	vmul.f32 $6.000000000e+00, v11;
	v3 =	vadd.f32 v61, v3;
	v61 =	vmul.f32 v44, v18  }
0x271: {  	v0 =	vadd.f32 v0, v1;
	v1 =	vmul.f32 v60, v2;
	v2 =	vadd.f32 v58, v14  }
0x272: {  	v63 =	vadd.f32 v59, v57;
	v4 =	vmul.f32 v48, v24  }
0x273: {  	v0 =	vadd.f32 v0, v1;
	v1 =	vmul.f32 v2, v3;
	v2 =	vsub.f32 v61, v62  }
0x274: {  	v3 =	vmul.f32 v54, v55  }
0x275: {  	v0 =	vadd.f32 v0, v1;
	v1 =	vmul.f32 v4, v63;
	v2 =	vadd.f32 v2, v19;
	_ =	sdelay $0x1  }
0x276: {  	v0 =	vadd.f32 v0, v1;
	v1 =	vmul.f32 v2, v3;
	v3 =	vld [tilespmem:$0x1FEC0];
	_ =	sdelay $0x1  }
0x277: {  	v0 =	vadd.f32 v0, v1;
	v1 =	vld [tilespmem:$0x1FAE0];
	_ =	sdelay $0x1  }
0x278: {  	vm1 =	vmmov vm0  }
0x279: {  	vm1 =	vmneg @p1 vm1;
	v2 =	vadd.f32 v40, v39;
	vm2 =	vle.f32 v3, $1.000000000e+04  }
0x27a: {  	vm1 =	vmand vm1, vm2  }
0x27b: {  	s19 =	sor.u32 s19, s20;
	vm3 =	vle.f32 v1, $1.000000000e+04;
	v1 =	vnsel vm1, $0x0, v2;
	v2 =	vld [tilespmem:$0x1FEB0]  }
0x27c: {  	s18 =	sadd.s32 $0x1, s18;
	p0 =	slt.u32 s19, $0xC3500;
	vm2 =	vmmov vm0  }
0x27d: {  	vm2 =	vmneg @p0 vm2;
	p0 =	sne.s32 s18, $0xC4  }
.Ltmp1:
0x27e: {  	_ = 	snop;
	(pc) =	sbr.rel @p0 .LBB2_2-.Ltmp1, $4  }
0x27f: {  	_ = 	snop  }
0x280: {  	vm1 =	vmand vm2, vm3;
	v1 =	vadd.f32 v1, v2  }
0x281: {  	v0 =	vnsel vm1, $0x0, v0  }
0x282: {  	v2 =	vld [tilespmem:$0x1FFF0];
	v0 =	vadd.f32 v0, v1  }
0x283: {  	s17 =	sadd.s32 $0x1, s17  }
0x284: {  	p0 =	sne.s32 s17, s9  }
.Ltmp2:
0x285: {  	[tilespmem:$0x1120] =	vst v0;
	(pc) =	sbr.rel @p0 .LBB2_1-.Ltmp2, $4  }
0x286: {  	[hbm4b:s8+s5] =	stream.linear.scatter [tilespmem:s16], [sflag:$0x2], $0x10, $0x38;
	[tilespmem:$0x1130] =	vst v63  }
0x287: {  	_ =	swait.ge [sflag:s11], $0x10  }
0x288: {  	[sflag:s11] =	ssyncset.done $0x0  }
0x289: {  	[sflag:s11] =	ssyncadd.s32 $0xFFFFFFF0  }
0x28a: {  	_ =	sfence.sel $0x180000  }
0x28b: {  	[bflag:$0x0] =	sbarrier.arrive $0xFFFF  }
0x28c: {  	p0 =	sne.s32 s4, $0x0;
	_ =	strace $0x90000047  }
0x28d: {  	s0 =	sadd.s32 @!p0 $0x100000, s0;
	[bflag:$0x2] =	sbarrier.arrive $0xFFFF  }
0x28e: {  	[sflag:s0] =	ssyncadd.tile.s32 @!p0 $0x1;
	_ =	shalt  }
.Lfunc_end2:
_tile_overlayer_lowered:
.L_overlay_start_2:
0x28f: {  	(tag) =	ssettag $0x2  }
0x290: {  	s0 =	rddreg [dreg:$0x0];
	s2 =	stileid.u32  }
0x291: {  	s1 =	rddreg [dreg:$0x1];
	p0 =	sne.s32 s2, $0x0  }
0x292: {  	s3 =	rddreg [dreg:$0x2];
	[bflag:$0x3] =	sbarrier.arrive $0xFFFF;
	s2 =	simm.s32 @!p0 $0x1C02  }
0x293: {  	[timem:s3], [sflag:s2] =	dma.local @!p0 [hbm:s0], s1  }
0x294: {  	s0 =	simm.s32 @!p0 $0x2  }
0x295: {  	_ =	swait.ge @!p0 [sflag:s0], s1  }
0x296: {  	s1 =	ssub.s32 @!p0 $0x0, s1;
	[sflag:s0] =	ssyncset.done @!p0 $0x0  }
0x297: {  	[sflag:s0] =	ssyncadd.s32 @!p0 s1  }
0x298: {  	[bflag:$0x3] =	sbarrier.arrive $0xFFFF  }
0x299: {  	_ =	shalt  }

</sc_bundles>
